<compile_context>
chip_gen: v7x
topology: tpu7x:2x2x1
jax: 0.10.2.dev20260603
libtpu: 0.0.44.dev20260713+nightly
codegen_flags: <defaults>
</compile_context>

<pallas_src>
import functools

import jax
import jax.numpy as jnp
import numpy as np
from jax import lax
from jax.experimental import pallas as pl
from jax.experimental.pallas import tpu as pltpu
from jax.experimental.pallas import tpu_sc as plsc

N = 10000
E = 320000
T = 500000
C = 128
F = 16
CUTOFF = 5.0

_NC = 2
_NS = 16
_NW = _NC * _NS
_W = 128

_TP = 524288


def _silu(x):
    return x * jax.nn.sigmoid(x)



def _pre_kernel(x_ref, w_ref, o_ref):
    o_ref[...] = jnp.dot(x_ref[...], w_ref[...], preferred_element_type=jnp.float32)


def _matmul_pre(features, W_pre):
    blk = 2000
    return pl.pallas_call(
        _pre_kernel,
        grid=(N // blk,),
        in_specs=[
            pl.BlockSpec((blk, C), lambda i: (i, 0)),
            pl.BlockSpec((C, C), lambda i: (0, 0)),
        ],
        out_specs=pl.BlockSpec((blk, C), lambda i: (i, 0)),
        out_shape=jax.ShapeDtypeStruct((N, C), jnp.float32),
    )(features, W_pre)


def _tb_kernel(d_ref, m1_ref, m2_ref, g1_ref, g2_ref, o_ref):
    nrows, nlanes = d_ref.shape
    ne = nrows * nlanes
    width = CUTOFF / F
    dT = d_ref[...].reshape(1, ne)
    centers = lax.broadcasted_iota(jnp.int32, (F, ne), 0).astype(jnp.float32) * (
        CUTOFF / (F - 1))
    rbT = jnp.exp(-((dT - centers) ** 2) * (1.0 / (width * width)))
    cut = 0.5 * (1.0 + jnp.cos(np.pi * dT / CUTOFF)) * (dT < CUTOFF).astype(jnp.float32)
    rbT = rbT * cut
    cdim = (((0,), (0,)), ((), ()))
    h1m = lax.dot_general(m1_ref[...], rbT, cdim, preferred_element_type=jnp.float32)
    h1g = lax.dot_general(g1_ref[...], rbT, cdim, preferred_element_type=jnp.float32)
    mlp = lax.dot_general(_silu(h1m), m2_ref[...], cdim, preferred_element_type=jnp.float32)
    gate = jax.nn.sigmoid(
        lax.dot_general(_silu(h1g), g2_ref[...], cdim, preferred_element_type=jnp.float32))
    o_ref[...] = mlp * gate


def _two_body_weights(d_rows, m1, m2, g1, g2):
    ep = d_rows.shape[0] * 128
    rows = 64
    return pl.pallas_call(
        _tb_kernel,
        grid=(d_rows.shape[0] // rows,),
        in_specs=[
            pl.BlockSpec((rows, 128), lambda i: (i, 0)),
            pl.BlockSpec((F, F), lambda i: (0, 0)),
            pl.BlockSpec((F, C), lambda i: (0, 0)),
            pl.BlockSpec((F, F), lambda i: (0, 0)),
            pl.BlockSpec((F, C), lambda i: (0, 0)),
        ],
        out_specs=pl.BlockSpec((rows * 128, C), lambda i: (i, 0)),
        out_shape=jax.ShapeDtypeStruct((ep, C), jnp.float32),
    )(d_rows, m1, m2, g1, g2)


def _three_kernel(rij_ref, rik_ref, ang_ref, m1_ref, m2_ref, g1_ref, g2_ref, o_ref):
    nrows, nlanes = rij_ref.shape
    ne = nrows * nlanes
    rij = rij_ref[...].reshape(1, ne)
    rik = rik_ref[...].reshape(1, ne)
    ca = jnp.cos(ang_ref[...]).reshape(1, ne)
    featT = jnp.concatenate([rij, rik, ca], axis=0)
    cdim = (((0,), (0,)), ((), ()))
    m1 = m1_ref[...]
    g1 = g1_ref[...]
    h1m = lax.dot_general(m1[:3, :], featT, cdim, preferred_element_type=jnp.float32)
    h1g = lax.dot_general(g1[:3, :], featT, cdim, preferred_element_type=jnp.float32)
    mlp = lax.dot_general(_silu(h1m).astype(jnp.bfloat16),
                          m2_ref[...].astype(jnp.bfloat16), cdim,
                          preferred_element_type=jnp.float32)
    gate = jax.nn.sigmoid(
        lax.dot_general(_silu(h1g).astype(jnp.bfloat16),
                        g2_ref[...].astype(jnp.bfloat16), cdim,
                        preferred_element_type=jnp.float32))
    o_ref[...] = mlp * gate


def _three_body_weights(rij_rows, rik_rows, ang_rows, m1p, m2, g1p, g2):
    rows = 64
    return pl.pallas_call(
        _three_kernel,
        grid=(rij_rows.shape[0] // rows,),
        in_specs=[
            pl.BlockSpec((rows, 128), lambda i: (i, 0)),
            pl.BlockSpec((rows, 128), lambda i: (i, 0)),
            pl.BlockSpec((rows, 128), lambda i: (i, 0)),
            pl.BlockSpec((8, 64), lambda i: (0, 0)),
            pl.BlockSpec((64, C), lambda i: (0, 0)),
            pl.BlockSpec((8, 64), lambda i: (0, 0)),
            pl.BlockSpec((64, C), lambda i: (0, 0)),
        ],
        out_specs=pl.BlockSpec((rows * 128, C), lambda i: (i, 0)),
        out_shape=jax.ShapeDtypeStruct((_TP, C), jnp.float32),
    )(rij_rows, rik_rows, ang_rows, m1p, m2, g1p, g2)


def _em_kernel(h_ref, p_ref, o_ref):
    o_ref[...] = h_ref[...] * (p_ref[0] + p_ref[1])


def _em_mul(h, aggp):
    blk = 2000
    return pl.pallas_call(
        _em_kernel,
        grid=(N // blk,),
        in_specs=[
            pl.BlockSpec((blk, C), lambda i: (i, 0)),
            pl.BlockSpec((_NC, blk, C), lambda i: (0, i, 0)),
        ],
        out_specs=pl.BlockSpec((blk, C), lambda i: (i, 0)),
        out_shape=jax.ShapeDtypeStruct((N, C), jnp.float32),
    )(h, aggp)


def _post_kernel(hp_ref, w_ref, o_ref):
    x = hp_ref[0] + hp_ref[1]
    o_ref[...] = jnp.dot(x, w_ref[...], preferred_element_type=jnp.float32)


def _matmul_post(hp, W_post):
    blk = 2000
    return pl.pallas_call(
        _post_kernel,
        grid=(N // blk,),
        in_specs=[
            pl.BlockSpec((_NC, blk, C), lambda i: (0, i, 0)),
            pl.BlockSpec((C, C), lambda i: (0, 0)),
        ],
        out_specs=pl.BlockSpec((blk, C), lambda i: (i, 0)),
        out_shape=jax.ShapeDtypeStruct((N, C), jnp.float32),
    )(hp, W_post)



_RPS = 624
_RTAIL = N - _RPS * _NS


def _striped_rows_copy(src, dst, s):
    pltpu.sync_copy(src.at[pl.ds(s * _RPS, _RPS)], dst.at[pl.ds(s * _RPS, _RPS)])

    @pl.when(s == _NS - 1)
    def _():
        pltpu.sync_copy(src.at[pl.ds(_RPS * _NS, _RTAIL)],
                        dst.at[pl.ds(_RPS * _NS, _RTAIL)])

def _sc_scatter_triplets(three_w, t1p3, zeros_nc):
    wpw = _TP // _W // _NW
    nsb = 8
    sw = wpw // nsb

    mesh = plsc.VectorSubcoreMesh(core_axis_name="c", subcore_axis_name="s")

    @functools.partial(
        pl.kernel,
        out_type=jax.ShapeDtypeStruct((_NC, N, C), jnp.float32),
        mesh=mesh,
        scratch_types=[
            pltpu.VMEM((sw, _W), jnp.int32),
            pltpu.VMEM((_W, C), jnp.float32),
            pltpu.VMEM((_W, C), jnp.float32),
            pltpu.VMEM_SHARED((N, C), jnp.float32),
            pltpu.SemaphoreType.DMA,
            pltpu.SemaphoreType.DMA,
            pltpu.SemaphoreType.DMA,
            pltpu.SemaphoreType.DMA,
        ],
    )
    def k(w_hbm, t1_hbm, z_hbm, out_hbm, idxblk, r_a, r_b, acc_sh,
          ina, inb, sca, scb):
        c = lax.axis_index("c")
        s = lax.axis_index("s")
        wid = s * _NC + c
        row0 = wid * wpw * _W
        _striped_rows_copy(z_hbm, acc_sh, s)
        plsc.subcore_barrier()

        def rsrc(w):
            return w_hbm.at[pl.ds(row0 + w * _W, _W)]

        pltpu.async_copy(rsrc(0), r_a, ina)
        pltpu.async_copy(rsrc(1), r_b, inb)

        def sb_body(sb, carry):
            pltpu.sync_copy(t1_hbm.at[wid, pl.ds(sb * sw, sw)], idxblk)

            def pair_body(j, cc):
                w0 = sb * sw + 2 * j
                pltpu.make_async_copy(rsrc(w0), r_a, ina).wait()
                pltpu.async_copy(r_a, acc_sh.at[idxblk.at[2 * j]], sca, add=True)
                pltpu.make_async_copy(rsrc(w0 + 1), r_b, inb).wait()
                pltpu.async_copy(r_b, acc_sh.at[idxblk.at[2 * j + 1]], scb, add=True)
                pltpu.make_async_copy(r_a, acc_sh.at[idxblk.at[2 * j]], sca).wait()

                @pl.when(w0 + 2 < wpw)
                def _():
                    pltpu.async_copy(rsrc(w0 + 2), r_a, ina)

                pltpu.make_async_copy(r_b, acc_sh.at[idxblk.at[2 * j + 1]], scb).wait()

                @pl.when(w0 + 3 < wpw)
                def _():
                    pltpu.async_copy(rsrc(w0 + 3), r_b, inb)

                return cc

            lax.fori_loop(0, sw // 2, pair_body, 0)
            return carry

        lax.fori_loop(0, nsb, sb_body, 0)

        plsc.subcore_barrier()
        _striped_rows_copy(acc_sh, out_hbm.at[c], s)

    return k(three_w, t1p3, zeros_nc)


_WB = 64


def _sc_edges(tb_w, idx0p3, idx1p3, h, em, em_idx, zeros_nc):
    nwin = tb_w.shape[0] // _WB
    wpw = nwin // _NW
    nsb = 10
    sw = wpw // nsb
    nem = em.shape[0] // _WB // _NW

    mesh = plsc.VectorSubcoreMesh(core_axis_name="c", subcore_axis_name="s")

    @functools.partial(
        pl.kernel,
        out_type=jax.ShapeDtypeStruct((_NC, N, C), jnp.float32),
        mesh=mesh,
        scratch_types=[
            pltpu.VMEM((sw, _WB), jnp.int32),
            pltpu.VMEM((sw, _WB), jnp.int32),
            pltpu.VMEM((_WB, C), jnp.float32),
            pltpu.VMEM((_WB, C), jnp.float32),
            pltpu.VMEM((_WB, C), jnp.float32),
            pltpu.VMEM((_WB, C), jnp.float32),
            pltpu.VMEM_SHARED((N, C), jnp.float32),
            pltpu.SemaphoreType.DMA,
            pltpu.SemaphoreType.DMA,
            pltpu.SemaphoreType.DMA,
            pltpu.SemaphoreType.DMA,
            pltpu.SemaphoreType.DMA,
            pltpu.SemaphoreType.DMA,
        ],
    )
    def k(w_hbm, i0_hbm, i1_hbm, h_hbm, em_hbm, emi_hbm, z_hbm, out_hbm,
          i0blk, i1blk, w_a, w_b, h_a, h_b, acc_sh,
          ga, gb, ina, inb, sca, scb):
        c = lax.axis_index("c")
        s = lax.axis_index("s")
        wid = s * _NC + c
        row0 = wid * wpw * _WB
        _striped_rows_copy(z_hbm, acc_sh, s)
        plsc.subcore_barrier()

        def wsrc(w):
            return w_hbm.at[pl.ds(row0 + w * _WB, _WB)]

        def mul(dst, srcr):
            def mbody(i, cc):
                for j in range(C // 16):
                    sl = pl.ds(j * 16, 16)
                    dst[i, sl] = dst[i, sl] * srcr[i, sl]
                return cc

            lax.fori_loop(0, _WB, mbody, 0)

        def sb_body(sb, carry):
            pltpu.sync_copy(i0_hbm.at[wid, pl.ds(sb * sw, sw)], i0blk)
            pltpu.sync_copy(i1_hbm.at[wid, pl.ds(sb * sw, sw)], i1blk)
            w00 = sb * sw
            pltpu.async_copy(h_hbm.at[i1blk.at[0]], h_a, ga)
            pltpu.async_copy(wsrc(w00), w_a, ina)
            pltpu.async_copy(h_hbm.at[i1blk.at[1]], h_b, gb)
            pltpu.async_copy(wsrc(w00 + 1), w_b, inb)

            def pair_body(j, cc):
                w0 = w00 + 2 * j
                pltpu.make_async_copy(h_hbm.at[i1blk.at[2 * j]], h_a, ga).wait()
                pltpu.make_async_copy(wsrc(w0), w_a, ina).wait()
                mul(w_a, h_a)
                pltpu.async_copy(w_a, acc_sh.at[i0blk.at[2 * j]], sca, add=True)
                pltpu.make_async_copy(h_hbm.at[i1blk.at[2 * j + 1]], h_b, gb).wait()
                pltpu.make_async_copy(wsrc(w0 + 1), w_b, inb).wait()
                mul(w_b, h_b)
                pltpu.async_copy(w_b, acc_sh.at[i0blk.at[2 * j + 1]], scb, add=True)
                pltpu.make_async_copy(w_a, acc_sh.at[i0blk.at[2 * j]], sca).wait()

                @pl.when(j < sw // 2 - 1)
                def _():
                    pltpu.async_copy(h_hbm.at[i1blk.at[2 * j + 2]], h_a, ga)
                    pltpu.async_copy(wsrc(w0 + 2), w_a, ina)

                pltpu.make_async_copy(w_b, acc_sh.at[i0blk.at[2 * j + 1]], scb).wait()

                @pl.when(j < sw // 2 - 1)
                def _():
                    pltpu.async_copy(h_hbm.at[i1blk.at[2 * j + 3]], h_b, gb)
                    pltpu.async_copy(wsrc(w0 + 3), w_b, inb)

                return cc

            lax.fori_loop(0, sw // 2, pair_body, 0)
            return carry

        lax.fori_loop(0, nsb, sb_body, 0)

        def embody(k2, carry):
            base = (wid * nem + k2) * _WB
            pltpu.sync_copy(emi_hbm.at[pl.ds(base, _WB)], i0blk.at[0])
            pltpu.sync_copy(em_hbm.at[pl.ds(base, _WB)], w_a)
            pltpu.sync_copy(w_a, acc_sh.at[i0blk.at[0]], add=True)
            return carry

        lax.fori_loop(0, nem, embody, 0)

        plsc.subcore_barrier()
        _striped_rows_copy(acc_sh, out_hbm.at[c], s)

    return k(tb_w, idx0p3, idx1p3, h, em, em_idx, zeros_nc)



def kernel(features, neighbour_distances, edge_index, triplet_idxs, angles,
           r_ij, r_ik, W_pre, tb_m1, tb_m2, tb_g1, tb_g2, three_m1, three_m2,
           three_g1, three_g2, W_post):
    ep = 327680
    idx0 = edge_index[0].astype(jnp.int32)
    idx0p = jnp.pad(idx0, (0, ep - E))
    idx1p = jnp.pad(edge_index[1].astype(jnp.int32), (0, ep - E))
    d_rows = jnp.pad(neighbour_distances, (0, ep - E),
                     constant_values=np.float32(2 * CUTOFF)).reshape(ep // 128, 128)
    pad = _TP - T
    t1p = jnp.pad(triplet_idxs[:, 1].astype(jnp.int32), (0, pad))
    rij_rows = jnp.pad(r_ij, (0, pad)).reshape(_TP // 128, 128)
    rik_rows = jnp.pad(r_ik, (0, pad)).reshape(_TP // 128, 128)
    ang_rows = jnp.pad(angles, (0, pad),
                       constant_values=np.float32(np.pi / 2)).reshape(_TP // 128, 128)
    m1p = jnp.zeros((8, 64), jnp.float32).at[:3].set(three_m1)
    g1p = jnp.zeros((8, 64), jnp.float32).at[:3].set(three_g1)
    zeros_nc = jnp.zeros((N, C), jnp.float32)

    h = _matmul_pre(features, W_pre)
    tb_w = _two_body_weights(d_rows, tb_m1, tb_m2, tb_g1, tb_g2)
    three_w = _three_body_weights(rij_rows, rik_rows, ang_rows, m1p, three_m2,
                                  g1p, three_g2)
    aggp = _sc_scatter_triplets(three_w, t1p.reshape(_NW, 128, _W), zeros_nc)
    em = jnp.pad(_em_mul(h, aggp), ((0, 240), (0, 0)))
    emi = jnp.pad(idx0[:N], (0, 240))
    hp = _sc_edges(tb_w, idx0p.reshape(_NW, 160, _WB),
                   idx1p.reshape(_NW, 160, _WB), h, em, emi, zeros_nc)
    return _matmul_post(hp, W_post)

# --- scband reference (transcript-rebuilt; emitter-appended) ---
"""Pipeline reference for scband-m3-gnet-interaction-34514357191193 (READ-ONLY COPY).

The authoritative reference and input builder live on the scoring server;
editing this copy changes nothing except your own understanding.
"""

import jax, jax.numpy as jnp
import numpy as np

N = 10000
E = 320000
T = 500000
C = 128
F = 16
CUTOFF = 5.0


def _silu(x):
    return x * jax.nn.sigmoid(x)


def _gated_mlp(x, m1, m2, g1, g2):
    mlp = jnp.dot(_silu(jnp.dot(x, m1)), m2)
    gate = jax.nn.sigmoid(jnp.dot(_silu(jnp.dot(x, g1)), g2))
    return mlp * gate


def setup_inputs(seed: int = 0):
    key = jax.random.key(seed)
    ks = jax.random.split(key, 18)
    inp = {}
    inp["features"] = jax.random.normal(ks[0], (N, C), dtype=jnp.float32)
    inp["neighbour_distances"] = jax.random.uniform(ks[1], (E,), dtype=jnp.float32) * CUTOFF * 0.99
    inp["edge_index"] = jax.random.randint(ks[2], (2, E), 0, N)
    inp["triplet_idxs"] = jax.random.randint(ks[3], (T, 3), 0, N)
    inp["angles"] = jax.random.uniform(ks[4], (T,), dtype=jnp.float32) * np.pi
    inp["r_ij"] = jax.random.uniform(ks[5], (T,), dtype=jnp.float32) * CUTOFF
    inp["r_ik"] = jax.random.uniform(ks[6], (T,), dtype=jnp.float32) * CUTOFF

    def w(k, fan_in, shape):
        return jax.random.normal(k, shape, dtype=jnp.float32) / np.sqrt(fan_in)

    inp["W_pre"] = w(ks[7], C, (C, C))
    inp["tb_m1"] = w(ks[8], F, (F, F))
    inp["tb_m2"] = w(ks[9], F, (F, C))
    inp["tb_g1"] = w(ks[10], F, (F, F))
    inp["tb_g2"] = w(ks[11], F, (F, C))
    inp["three_m1"] = w(ks[12], 3, (3, 64))
    inp["three_m2"] = w(ks[13], 64, (64, C))
    inp["three_g1"] = w(ks[14], 3, (3, 64))
    inp["three_g2"] = w(ks[15], 64, (64, C))
    inp["W_post"] = w(ks[16], C, (C, C))
    return inp


def reference(features, neighbour_distances, edge_index, triplet_idxs, angles, r_ij, r_ik,
              W_pre, tb_m1, tb_m2, tb_g1, tb_g2, three_m1, three_m2, three_g1, three_g2, W_post):
    # pre-linear
    h = jnp.dot(features, W_pre)
    # radial basis expansion (Gaussian smearing) with smooth cosine cutoff
    centers = jnp.linspace(0.0, CUTOFF, F)
    width = CUTOFF / F
    d = neighbour_distances[:, None]
    radial_basis = jnp.exp(-((d - centers[None, :]) ** 2) / (width ** 2))
    cutoff_mask = (neighbour_distances < CUTOFF).astype(jnp.float32)
    cutoff_values = 0.5 * (1.0 + jnp.cos(np.pi * neighbour_distances / CUTOFF))
    radial_basis = radial_basis * cutoff_values[:, None] * cutoff_mask[:, None]
    # two-body messages: gather neighbor features per edge, modulate by gated MLP of rbf
    neighbor_h = jnp.take(h, edge_index[1], axis=0)
    two_body = neighbor_h * _gated_mlp(radial_basis, tb_m1, tb_m2, tb_g1, tb_g2)
    # three-body messages
    three_feat = jnp.stack([r_ij, r_ik, jnp.cos(angles)], axis=-1)
    three_w = _gated_mlp(three_feat, three_m1, three_m2, three_g1, three_g2)
    nf = jnp.take(h, triplet_idxs[:, 1], axis=0)
    msgs = nf * three_w
    edge_messages = jnp.zeros((E, C), dtype=h.dtype).at[triplet_idxs[:, 1]].add(msgs)
    # aggregate messages over edges to central atoms
    messages = two_body + edge_messages
    h_agg = jax.ops.segment_sum(messages, edge_index[0], num_segments=N)
    return jnp.dot(h_agg, W_post)

if __name__ == "__main__":
    import jax
    _d = setup_inputs()
    print(jax.jit(kernel)(*tuple(_d.values())))

</pallas_src>

<mosaic_0001>
#map = affine_map<(d0, d1) -> (0, 0)>
#map1 = affine_map<(d0, d1) -> (0, 0, 0)>
module attributes {stable_mosaic.version = 14 : i64} {
  func.func @k(%arg0: i32, %arg1: i32, %arg2: memref<524288x128xf32, #tpu.memory_space<hbm>>, %arg3: memref<32x128x128xi32, #tpu.memory_space<hbm>>, %arg4: memref<10000x128xf32, #tpu.memory_space<hbm>>, %arg5: memref<2x10000x128xf32, #tpu.memory_space<hbm>>, %arg6: memref<16x128xi32, #tpu.memory_space<vmem>>, %arg7: memref<128x128xf32, #tpu.memory_space<vmem>>, %arg8: memref<128x128xf32, #tpu.memory_space<vmem>>, %arg9: memref<10000x128xf32, #tpu.memory_space<vmem_shared>>, %arg10: memref<!tpu.dma_semaphore, #tpu.memory_space<semaphore_mem>>, %arg11: memref<!tpu.dma_semaphore, #tpu.memory_space<semaphore_mem>>, %arg12: memref<!tpu.dma_semaphore, #tpu.memory_space<semaphore_mem>>, %arg13: memref<!tpu.dma_semaphore, #tpu.memory_space<semaphore_mem>>) attributes {dimension_semantics = [#tpu.dimension_semantics<core_parallel>, #tpu.dimension_semantics<subcore_parallel>], iteration_bounds = array<i64: 2, 16>, scalar_prefetch = 0 : i64, scratch_operands = 8 : i64, tpu.core_type = #tpu.core_type<sc_vector_subcore>, window_params = [{transform_indices = #map}, {transform_indices = #map1}, {transform_indices = #map}, {transform_indices = #map1}]} {
    %mul3A = arith.constant 2 : i32
    %mul3A_0 = arith.muli %arg1, %mul3A : i32
    %add3A = arith.addi %mul3A_0, %arg0 : i32
    %mul3A_1 = arith.constant 128 : i32
    %mul3A_2 = arith.muli %add3A, %mul3A_1 : i32
    %mul3A_3 = arith.constant 128 : i32
    %mul3A_4 = arith.muli %mul3A_2, %mul3A_3 : i32
    %mul3A_5 = arith.constant 624 : i32
    %mul3A_6 = arith.muli %arg1, %mul3A_5 : i32
    %mul3A_7 = arith.constant 624 : i32
    %mul3A_8 = arith.muli %arg1, %mul3A_7 : i32
    "tpu.region"() ({
      %run_scoped3A = tpu.sem_alloc : memref<!tpu.dma_semaphore, #tpu.memory_space<semaphore_mem>>
      %dma_start3A_37 = arith.constant 0 : i32
      %dma_start3A_38 = tpu.memref_slice %arg9[%mul3A_8, %dma_start3A_37] : memref<10000x128xf32, #tpu.memory_space<vmem_shared>> -> memref<624x128xf32, #tpu.memory_space<vmem_shared>>
      %dma_start3A_39 = arith.constant 0 : i32
      %dma_start3A_40 = tpu.memref_slice %arg4[%mul3A_6, %dma_start3A_39] : memref<10000x128xf32, #tpu.memory_space<hbm>> -> memref<624x128xf32, #tpu.memory_space<hbm>>
      tpu.enqueue_dma source(%dma_start3A_40 : memref<624x128xf32, #tpu.memory_space<hbm>>) target(%dma_start3A_38 : memref<624x128xf32, #tpu.memory_space<vmem_shared>>) target_semaphore(%run_scoped3A : memref<!tpu.dma_semaphore, #tpu.memory_space<semaphore_mem>>)
      %dma_wait3A = arith.constant 0 : i32
      %dma_wait3A_41 = tpu.memref_slice %arg9[%mul3A_8, %dma_wait3A] : memref<10000x128xf32, #tpu.memory_space<vmem_shared>> -> memref<624x128xf32, #tpu.memory_space<vmem_shared>>
      %dma_wait3A_42 = arith.constant 0 : i32
      %dma_wait3A_43 = tpu.memref_slice %arg4[%mul3A_6, %dma_wait3A_42] : memref<10000x128xf32, #tpu.memory_space<hbm>> -> memref<624x128xf32, #tpu.memory_space<hbm>>
      tpu.wait_dma2 semaphore(%run_scoped3A : memref<!tpu.dma_semaphore, #tpu.memory_space<semaphore_mem>>) src(%dma_wait3A_43 : memref<624x128xf32, #tpu.memory_space<hbm>>) dst(%dma_wait3A_41 : memref<624x128xf32, #tpu.memory_space<vmem_shared>>)
      tpu.yield
    }) : () -> ()
    %eq3A = arith.constant 15 : i32
    %eq3A_9 = arith.cmpi eq, %arg1, %eq3A : i32
    %convert_element_type3A = arith.extui %eq3A_9 : i1 to i32
    %cond3A = arith.constant 0 : i32
    %cond3A_10 = arith.cmpi ne, %convert_element_type3A, %cond3A : i32
    scf.if %cond3A_10 {
      "tpu.region"() ({
        %run_scoped3A = tpu.sem_alloc : memref<!tpu.dma_semaphore, #tpu.memory_space<semaphore_mem>>
        %dma_start3A_37 = arith.constant 9984 : i32
        %dma_start3A_38 = arith.constant 0 : i32
        %dma_start3A_39 = tpu.memref_slice %arg9[%dma_start3A_37, %dma_start3A_38] : memref<10000x128xf32, #tpu.memory_space<vmem_shared>> -> memref<16x128xf32, #tpu.memory_space<vmem_shared>>
        %dma_start3A_40 = arith.constant 9984 : i32
        %dma_start3A_41 = arith.constant 0 : i32
        %dma_start3A_42 = tpu.memref_slice %arg4[%dma_start3A_40, %dma_start3A_41] : memref<10000x128xf32, #tpu.memory_space<hbm>> -> memref<16x128xf32, #tpu.memory_space<hbm>>
        tpu.enqueue_dma source(%dma_start3A_42 : memref<16x128xf32, #tpu.memory_space<hbm>>) target(%dma_start3A_39 : memref<16x128xf32, #tpu.memory_space<vmem_shared>>) target_semaphore(%run_scoped3A : memref<!tpu.dma_semaphore, #tpu.memory_space<semaphore_mem>>)
        %dma_wait3A = arith.constant 9984 : i32
        %dma_wait3A_43 = arith.constant 0 : i32
        %dma_wait3A_44 = tpu.memref_slice %arg9[%dma_wait3A, %dma_wait3A_43] : memref<10000x128xf32, #tpu.memory_space<vmem_shared>> -> memref<16x128xf32, #tpu.memory_space<vmem_shared>>
        %dma_wait3A_45 = arith.constant 9984 : i32
        %dma_wait3A_46 = arith.constant 0 : i32
        %dma_wait3A_47 = tpu.memref_slice %arg4[%dma_wait3A_45, %dma_wait3A_46] : memref<10000x128xf32, #tpu.memory_space<hbm>> -> memref<16x128xf32, #tpu.memory_space<hbm>>
        tpu.wait_dma2 semaphore(%run_scoped3A : memref<!tpu.dma_semaphore, #tpu.memory_space<semaphore_mem>>) src(%dma_wait3A_47 : memref<16x128xf32, #tpu.memory_space<hbm>>) dst(%dma_wait3A_44 : memref<16x128xf32, #tpu.memory_space<vmem_shared>>)
        tpu.yield
      }) : () -> ()
    } else {
    }
    %barrier3A = arith.constant 0 : index
    tpu.barrier barrier_id(%barrier3A)
    %add3A_11 = arith.constant 0 : i32
    %add3A_12 = arith.addi %mul3A_4, %add3A_11 : i32
    %dma_start3A = arith.constant 0 : i32
    %dma_start3A_13 = tpu.memref_slice %arg2[%add3A_12, %dma_start3A] : memref<524288x128xf32, #tpu.memory_space<hbm>> -> memref<128x128xf32, #tpu.memory_space<hbm>>
    %dma_start3A_14 = arith.constant 0 : i32
    %dma_start3A_15 = tpu.memref_slice %arg2[%add3A_12, %dma_start3A_14] : memref<524288x128xf32, #tpu.memory_space<hbm>> -> memref<128x128xf32, #tpu.memory_space<hbm>>
    tpu.enqueue_dma source(%dma_start3A_15 : memref<128x128xf32, #tpu.memory_space<hbm>>) target(%arg7 : memref<128x128xf32, #tpu.memory_space<vmem>>) target_semaphore(%arg10 : memref<!tpu.dma_semaphore, #tpu.memory_space<semaphore_mem>>)
    %add3A_16 = arith.constant 128 : i32
    %add3A_17 = arith.addi %mul3A_4, %add3A_16 : i32
    %dma_start3A_18 = arith.constant 0 : i32
    %dma_start3A_19 = tpu.memref_slice %arg2[%add3A_17, %dma_start3A_18] : memref<524288x128xf32, #tpu.memory_space<hbm>> -> memref<128x128xf32, #tpu.memory_space<hbm>>
    %dma_start3A_20 = arith.constant 0 : i32
    %dma_start3A_21 = tpu.memref_slice %arg2[%add3A_17, %dma_start3A_20] : memref<524288x128xf32, #tpu.memory_space<hbm>> -> memref<128x128xf32, #tpu.memory_space<hbm>>
    tpu.enqueue_dma source(%dma_start3A_21 : memref<128x128xf32, #tpu.memory_space<hbm>>) target(%arg8 : memref<128x128xf32, #tpu.memory_space<vmem>>) target_semaphore(%arg11 : memref<!tpu.dma_semaphore, #tpu.memory_space<semaphore_mem>>)
    %scan3A = arith.constant 0 : i32
    %scan3A_22 = arith.constant 0 : i32
    %scan3A_23 = arith.constant 8 : i32
    %scan3A_24 = arith.addi %scan3A_22, %scan3A_23 : i32
    %scan3A_25 = arith.constant 1 : i32
    scf.for %scan3A_37 = %scan3A_22 to %scan3A_24 step %scan3A_25  : i32 {
      %mul3A_38 = arith.constant 16 : i32
      %mul3A_39 = arith.muli %scan3A_37, %mul3A_38 : i32
      "tpu.region"() ({
        %run_scoped3A = tpu.sem_alloc : memref<!tpu.dma_semaphore, #tpu.memory_space<semaphore_mem>>
        %dma_start3A_46 = arith.constant 0 : i32
        %dma_start3A_47 = tpu.memref_slice %arg3[%add3A, %mul3A_39, %dma_start3A_46] : memref<32x128x128xi32, #tpu.memory_space<hbm>> -> memref<1x16x128xi32, #tpu.memory_space<hbm>>
        %dma_start3A_48 = tpu.memref_squeeze %dma_start3A_47 : memref<1x16x128xi32, #tpu.memory_space<hbm>> -> memref<16x128xi32, #tpu.memory_space<hbm>>
        %dma_start3A_49 = arith.constant 0 : i32
        %dma_start3A_50 = tpu.memref_slice %arg3[%add3A, %mul3A_39, %dma_start3A_49] : memref<32x128x128xi32, #tpu.memory_space<hbm>> -> memref<1x16x128xi32, #tpu.memory_space<hbm>>
        %dma_start3A_51 = tpu.memref_squeeze %dma_start3A_50 : memref<1x16x128xi32, #tpu.memory_space<hbm>> -> memref<16x128xi32, #tpu.memory_space<hbm>>
        tpu.enqueue_dma source(%dma_start3A_51 : memref<16x128xi32, #tpu.memory_space<hbm>>) target(%arg6 : memref<16x128xi32, #tpu.memory_space<vmem>>) target_semaphore(%run_scoped3A : memref<!tpu.dma_semaphore, #tpu.memory_space<semaphore_mem>>)
        %dma_wait3A = arith.constant 0 : i32
        %dma_wait3A_52 = tpu.memref_slice %arg3[%add3A, %mul3A_39, %dma_wait3A] : memref<32x128x128xi32, #tpu.memory_space<hbm>> -> memref<1x16x128xi32, #tpu.memory_space<hbm>>
        %dma_wait3A_53 = tpu.memref_squeeze %dma_wait3A_52 : memref<1x16x128xi32, #tpu.memory_space<hbm>> -> memref<16x128xi32, #tpu.memory_space<hbm>>
        %dma_wait3A_54 = arith.constant 0 : i32
        %dma_wait3A_55 = tpu.memref_slice %arg3[%add3A, %mul3A_39, %dma_wait3A_54] : memref<32x128x128xi32, #tpu.memory_space<hbm>> -> memref<1x16x128xi32, #tpu.memory_space<hbm>>
        %dma_wait3A_56 = tpu.memref_squeeze %dma_wait3A_55 : memref<1x16x128xi32, #tpu.memory_space<hbm>> -> memref<16x128xi32, #tpu.memory_space<hbm>>
        tpu.wait_dma2 semaphore(%run_scoped3A : memref<!tpu.dma_semaphore, #tpu.memory_space<semaphore_mem>>) src(%dma_wait3A_56 : memref<16x128xi32, #tpu.memory_space<hbm>>) dst(%arg6 : memref<16x128xi32, #tpu.memory_space<vmem>>)
        tpu.yield
      }) : () -> ()
      %scan3A_40 = arith.constant 0 : i32
      %scan3A_41 = arith.constant 0 : i32
      %scan3A_42 = arith.constant 8 : i32
      %scan3A_43 = arith.addi %scan3A_41, %scan3A_42 : i32
      %scan3A_44 = arith.constant 1 : i32
      scf.for %scan3A_46 = %scan3A_41 to %scan3A_43 step %scan3A_44  : i32 {
        %mul3A_47 = arith.constant 16 : i32
        %mul3A_48 = arith.muli %scan3A_37, %mul3A_47 : i32
        %mul3A_49 = arith.constant 2 : i32
        %mul3A_50 = arith.muli %mul3A_49, %scan3A_46 : i32
        %add3A_51 = arith.addi %mul3A_48, %mul3A_50 : i32
        %mul3A_52 = arith.constant 128 : i32
        %mul3A_53 = arith.muli %add3A_51, %mul3A_52 : i32
        %add3A_54 = arith.addi %mul3A_4, %mul3A_53 : i32
        %dma_wait3A = arith.constant 0 : i32
        %dma_wait3A_55 = tpu.memref_slice %arg2[%add3A_54, %dma_wait3A] : memref<524288x128xf32, #tpu.memory_space<hbm>> -> memref<128x128xf32, #tpu.memory_space<hbm>>
        %dma_wait3A_56 = arith.constant 0 : i32
        %dma_wait3A_57 = tpu.memref_slice %arg2[%add3A_54, %dma_wait3A_56] : memref<524288x128xf32, #tpu.memory_space<hbm>> -> memref<128x128xf32, #tpu.memory_space<hbm>>
        tpu.wait_dma2 semaphore(%arg10 : memref<!tpu.dma_semaphore, #tpu.memory_space<semaphore_mem>>) src(%dma_wait3A_57 : memref<128x128xf32, #tpu.memory_space<hbm>>) dst(%arg7 : memref<128x128xf32, #tpu.memory_space<vmem>>)
        %mul3A_58 = arith.constant 2 : i32
        %mul3A_59 = arith.muli %mul3A_58, %scan3A_46 : i32
        %dma_start3A_60 = arith.constant 0 : i32
        %dma_start3A_61 = tpu.memref_slice %arg6[%mul3A_59, %dma_start3A_60] : memref<16x128xi32, #tpu.memory_space<vmem>> -> memref<1x128xi32, #tpu.memory_space<vmem>>
        %dma_start3A_62 = tpu.memref_squeeze %dma_start3A_61 : memref<1x128xi32, #tpu.memory_space<vmem>> -> memref<128xi32, #tpu.memory_space<vmem>>
        %dma_start3A_63 = arith.constant 0 : i32
        %dma_start3A_64 = arith.constant 0 : i32
        %dma_start3A_65 = tpu.memref_slice %arg9[%dma_start3A_63, %dma_start3A_64] : memref<10000x128xf32, #tpu.memory_space<vmem_shared>> -> memref<10000x128xf32, #tpu.memory_space<vmem_shared>>
        tpu.enqueue_indirect_dma source(%arg7 : memref<128x128xf32, #tpu.memory_space<vmem>>) target(%dma_start3A_65 : memref<10000x128xf32, #tpu.memory_space<vmem_shared>>) offsets(%dma_start3A_62 : memref<128xi32, #tpu.memory_space<vmem>>) semaphore(%arg12 : memref<!tpu.dma_semaphore, #tpu.memory_space<semaphore_mem>>) {add = true}
        %add3A_66 = arith.constant 1 : i32
        %add3A_67 = arith.addi %add3A_51, %add3A_66 : i32
        %mul3A_68 = arith.constant 128 : i32
        %mul3A_69 = arith.muli %add3A_67, %mul3A_68 : i32
        %add3A_70 = arith.addi %mul3A_4, %mul3A_69 : i32
        %dma_wait3A_71 = arith.constant 0 : i32
        %dma_wait3A_72 = tpu.memref_slice %arg2[%add3A_70, %dma_wait3A_71] : memref<524288x128xf32, #tpu.memory_space<hbm>> -> memref<128x128xf32, #tpu.memory_space<hbm>>
        %dma_wait3A_73 = arith.constant 0 : i32
        %dma_wait3A_74 = tpu.memref_slice %arg2[%add3A_70, %dma_wait3A_73] : memref<524288x128xf32, #tpu.memory_space<hbm>> -> memref<128x128xf32, #tpu.memory_space<hbm>>
        tpu.wait_dma2 semaphore(%arg11 : memref<!tpu.dma_semaphore, #tpu.memory_space<semaphore_mem>>) src(%dma_wait3A_74 : memref<128x128xf32, #tpu.memory_space<hbm>>) dst(%arg8 : memref<128x128xf32, #tpu.memory_space<vmem>>)
        %mul3A_75 = arith.constant 2 : i32
        %mul3A_76 = arith.muli %mul3A_75, %scan3A_46 : i32
        %add3A_77 = arith.constant 1 : i32
        %add3A_78 = arith.addi %mul3A_76, %add3A_77 : i32
        %dma_start3A_79 = arith.constant 0 : i32
        %dma_start3A_80 = tpu.memref_slice %arg6[%add3A_78, %dma_start3A_79] : memref<16x128xi32, #tpu.memory_space<vmem>> -> memref<1x128xi32, #tpu.memory_space<vmem>>
        %dma_start3A_81 = tpu.memref_squeeze %dma_start3A_80 : memref<1x128xi32, #tpu.memory_space<vmem>> -> memref<128xi32, #tpu.memory_space<vmem>>
        %dma_start3A_82 = arith.constant 0 : i32
        %dma_start3A_83 = arith.constant 0 : i32
        %dma_start3A_84 = tpu.memref_slice %arg9[%dma_start3A_82, %dma_start3A_83] : memref<10000x128xf32, #tpu.memory_space<vmem_shared>> -> memref<10000x128xf32, #tpu.memory_space<vmem_shared>>
        tpu.enqueue_indirect_dma source(%arg8 : memref<128x128xf32, #tpu.memory_space<vmem>>) target(%dma_start3A_84 : memref<10000x128xf32, #tpu.memory_space<vmem_shared>>) offsets(%dma_start3A_81 : memref<128xi32, #tpu.memory_space<vmem>>) semaphore(%arg13 : memref<!tpu.dma_semaphore, #tpu.memory_space<semaphore_mem>>) {add = true}
        %mul3A_85 = arith.constant 2 : i32
        %mul3A_86 = arith.muli %mul3A_85, %scan3A_46 : i32
        %dma_wait3A_87 = arith.constant 0 : i32
        %dma_wait3A_88 = tpu.memref_slice %arg6[%mul3A_86, %dma_wait3A_87] : memref<16x128xi32, #tpu.memory_space<vmem>> -> memref<1x128xi32, #tpu.memory_space<vmem>>
        %dma_wait3A_89 = tpu.memref_squeeze %dma_wait3A_88 : memref<1x128xi32, #tpu.memory_space<vmem>> -> memref<128xi32, #tpu.memory_space<vmem>>
        %dma_wait3A_90 = arith.constant 0 : i32
        %dma_wait3A_91 = arith.constant 0 : i32
        %dma_wait3A_92 = tpu.memref_slice %arg9[%dma_wait3A_90, %dma_wait3A_91] : memref<10000x128xf32, #tpu.memory_space<vmem_shared>> -> memref<10000x128xf32, #tpu.memory_space<vmem_shared>>
        tpu.wait_indirect_dma semaphore(%arg12 : memref<!tpu.dma_semaphore, #tpu.memory_space<semaphore_mem>>) src(%arg7 : memref<128x128xf32, #tpu.memory_space<vmem>>) dst(%dma_wait3A_92 : memref<10000x128xf32, #tpu.memory_space<vmem_shared>>)
        %add3A_93 = arith.constant 2 : i32
        %add3A_94 = arith.addi %add3A_51, %add3A_93 : i32
        %lt3A = arith.constant 128 : i32
        %lt3A_95 = arith.cmpi slt, %add3A_94, %lt3A : i32
        %convert_element_type3A_96 = arith.extui %lt3A_95 : i1 to i32
        %cond3A_97 = arith.constant 0 : i32
        %cond3A_98 = arith.cmpi ne, %convert_element_type3A_96, %cond3A_97 : i32
        scf.if %cond3A_98 {
          %add3A_116 = arith.constant 2 : i32
          %add3A_117 = arith.addi %add3A_51, %add3A_116 : i32
          %mul3A_118 = arith.constant 128 : i32
          %mul3A_119 = arith.muli %add3A_117, %mul3A_118 : i32
          %add3A_120 = arith.addi %mul3A_4, %mul3A_119 : i32
          %dma_start3A_121 = arith.constant 0 : i32
          %dma_start3A_122 = tpu.memref_slice %arg2[%add3A_120, %dma_start3A_121] : memref<524288x128xf32, #tpu.memory_space<hbm>> -> memref<128x128xf32, #tpu.memory_space<hbm>>
          %dma_start3A_123 = arith.constant 0 : i32
          %dma_start3A_124 = tpu.memref_slice %arg2[%add3A_120, %dma_start3A_123] : memref<524288x128xf32, #tpu.memory_space<hbm>> -> memref<128x128xf32, #tpu.memory_space<hbm>>
          tpu.enqueue_dma source(%dma_start3A_124 : memref<128x128xf32, #tpu.memory_space<hbm>>) target(%arg7 : memref<128x128xf32, #tpu.memory_space<vmem>>) target_semaphore(%arg10 : memref<!tpu.dma_semaphore, #tpu.memory_space<semaphore_mem>>)
        } else {
        }
        %mul3A_99 = arith.constant 2 : i32
        %mul3A_100 = arith.muli %mul3A_99, %scan3A_46 : i32
        %add3A_101 = arith.constant 1 : i32
        %add3A_102 = arith.addi %mul3A_100, %add3A_101 : i32
        %dma_wait3A_103 = arith.constant 0 : i32
        %dma_wait3A_104 = tpu.memref_slice %arg6[%add3A_102, %dma_wait3A_103] : memref<16x128xi32, #tpu.memory_space<vmem>> -> memref<1x128xi32, #tpu.memory_space<vmem>>
        %dma_wait3A_105 = tpu.memref_squeeze %dma_wait3A_104 : memref<1x128xi32, #tpu.memory_space<vmem>> -> memref<128xi32, #tpu.memory_space<vmem>>
        %dma_wait3A_106 = arith.constant 0 : i32
        %dma_wait3A_107 = arith.constant 0 : i32
        %dma_wait3A_108 = tpu.memref_slice %arg9[%dma_wait3A_106, %dma_wait3A_107] : memref<10000x128xf32, #tpu.memory_space<vmem_shared>> -> memref<10000x128xf32, #tpu.memory_space<vmem_shared>>
        tpu.wait_indirect_dma semaphore(%arg13 : memref<!tpu.dma_semaphore, #tpu.memory_space<semaphore_mem>>) src(%arg8 : memref<128x128xf32, #tpu.memory_space<vmem>>) dst(%dma_wait3A_108 : memref<10000x128xf32, #tpu.memory_space<vmem_shared>>)
        %add3A_109 = arith.constant 3 : i32
        %add3A_110 = arith.addi %add3A_51, %add3A_109 : i32
        %lt3A_111 = arith.constant 128 : i32
        %lt3A_112 = arith.cmpi slt, %add3A_110, %lt3A_111 : i32
        %convert_element_type3A_113 = arith.extui %lt3A_112 : i1 to i32
        %cond3A_114 = arith.constant 0 : i32
        %cond3A_115 = arith.cmpi ne, %convert_element_type3A_113, %cond3A_114 : i32
        scf.if %cond3A_115 {
          %add3A_116 = arith.constant 3 : i32
          %add3A_117 = arith.addi %add3A_51, %add3A_116 : i32
          %mul3A_118 = arith.constant 128 : i32
          %mul3A_119 = arith.muli %add3A_117, %mul3A_118 : i32
          %add3A_120 = arith.addi %mul3A_4, %mul3A_119 : i32
          %dma_start3A_121 = arith.constant 0 : i32
          %dma_start3A_122 = tpu.memref_slice %arg2[%add3A_120, %dma_start3A_121] : memref<524288x128xf32, #tpu.memory_space<hbm>> -> memref<128x128xf32, #tpu.memory_space<hbm>>
          %dma_start3A_123 = arith.constant 0 : i32
          %dma_start3A_124 = tpu.memref_slice %arg2[%add3A_120, %dma_start3A_123] : memref<524288x128xf32, #tpu.memory_space<hbm>> -> memref<128x128xf32, #tpu.memory_space<hbm>>
          tpu.enqueue_dma source(%dma_start3A_124 : memref<128x128xf32, #tpu.memory_space<hbm>>) target(%arg8 : memref<128x128xf32, #tpu.memory_space<vmem>>) target_semaphore(%arg11 : memref<!tpu.dma_semaphore, #tpu.memory_space<semaphore_mem>>)
        } else {
        }
      }
      %scan3A_45 = arith.constant 8 : i32
    }
    %scan3A_26 = arith.constant 8 : i32
    %barrier3A_27 = arith.constant 0 : index
    tpu.barrier barrier_id(%barrier3A_27)
    %mul3A_28 = arith.constant 624 : i32
    %mul3A_29 = arith.muli %arg1, %mul3A_28 : i32
    %mul3A_30 = arith.constant 624 : i32
    %mul3A_31 = arith.muli %arg1, %mul3A_30 : i32
    "tpu.region"() ({
      %run_scoped3A = tpu.sem_alloc : memref<!tpu.dma_semaphore, #tpu.memory_space<semaphore_mem>>
      %dma_start3A_37 = arith.constant 0 : i32
      %dma_start3A_38 = arith.constant 0 : i32
      %dma_start3A_39 = tpu.memref_slice %arg5[%arg0, %dma_start3A_37, %dma_start3A_38] : memref<2x10000x128xf32, #tpu.memory_space<hbm>> -> memref<1x10000x128xf32, #tpu.memory_space<hbm>>
      %dma_start3A_40 = tpu.memref_squeeze %dma_start3A_39 : memref<1x10000x128xf32, #tpu.memory_space<hbm>> -> memref<10000x128xf32, #tpu.memory_space<hbm>>
      %dma_start3A_41 = arith.constant 0 : i32
      %dma_start3A_42 = tpu.memref_slice %dma_start3A_40[%mul3A_31, %dma_start3A_41] : memref<10000x128xf32, #tpu.memory_space<hbm>> -> memref<624x128xf32, #tpu.memory_space<hbm>>
      %dma_start3A_43 = arith.constant 0 : i32
      %dma_start3A_44 = tpu.memref_slice %arg9[%mul3A_29, %dma_start3A_43] : memref<10000x128xf32, #tpu.memory_space<vmem_shared>> -> memref<624x128xf32, #tpu.memory_space<vmem_shared>>
      tpu.enqueue_dma source(%dma_start3A_44 : memref<624x128xf32, #tpu.memory_space<vmem_shared>>) target(%dma_start3A_42 : memref<624x128xf32, #tpu.memory_space<hbm>>) target_semaphore(%run_scoped3A : memref<!tpu.dma_semaphore, #tpu.memory_space<semaphore_mem>>)
      %dma_wait3A = arith.constant 0 : i32
      %dma_wait3A_45 = arith.constant 0 : i32
      %dma_wait3A_46 = tpu.memref_slice %arg5[%arg0, %dma_wait3A, %dma_wait3A_45] : memref<2x10000x128xf32, #tpu.memory_space<hbm>> -> memref<1x10000x128xf32, #tpu.memory_space<hbm>>
      %dma_wait3A_47 = tpu.memref_squeeze %dma_wait3A_46 : memref<1x10000x128xf32, #tpu.memory_space<hbm>> -> memref<10000x128xf32, #tpu.memory_space<hbm>>
      %dma_wait3A_48 = arith.constant 0 : i32
      %dma_wait3A_49 = tpu.memref_slice %dma_wait3A_47[%mul3A_31, %dma_wait3A_48] : memref<10000x128xf32, #tpu.memory_space<hbm>> -> memref<624x128xf32, #tpu.memory_space<hbm>>
      %dma_wait3A_50 = arith.constant 0 : i32
      %dma_wait3A_51 = tpu.memref_slice %arg9[%mul3A_29, %dma_wait3A_50] : memref<10000x128xf32, #tpu.memory_space<vmem_shared>> -> memref<624x128xf32, #tpu.memory_space<vmem_shared>>
      tpu.wait_dma2 semaphore(%run_scoped3A : memref<!tpu.dma_semaphore, #tpu.memory_space<semaphore_mem>>) src(%dma_wait3A_51 : memref<624x128xf32, #tpu.memory_space<vmem_shared>>) dst(%dma_wait3A_49 : memref<624x128xf32, #tpu.memory_space<hbm>>)
      tpu.yield
    }) : () -> ()
    %eq3A_32 = arith.constant 15 : i32
    %eq3A_33 = arith.cmpi eq, %arg1, %eq3A_32 : i32
    %convert_element_type3A_34 = arith.extui %eq3A_33 : i1 to i32
    %cond3A_35 = arith.constant 0 : i32
    %cond3A_36 = arith.cmpi ne, %convert_element_type3A_34, %cond3A_35 : i32
    scf.if %cond3A_36 {
      "tpu.region"() ({
        %run_scoped3A = tpu.sem_alloc : memref<!tpu.dma_semaphore, #tpu.memory_space<semaphore_mem>>
        %dma_start3A_37 = arith.constant 0 : i32
        %dma_start3A_38 = arith.constant 0 : i32
        %dma_start3A_39 = tpu.memref_slice %arg5[%arg0, %dma_start3A_37, %dma_start3A_38] : memref<2x10000x128xf32, #tpu.memory_space<hbm>> -> memref<1x10000x128xf32, #tpu.memory_space<hbm>>
        %dma_start3A_40 = tpu.memref_squeeze %dma_start3A_39 : memref<1x10000x128xf32, #tpu.memory_space<hbm>> -> memref<10000x128xf32, #tpu.memory_space<hbm>>
        %dma_start3A_41 = arith.constant 9984 : i32
        %dma_start3A_42 = arith.constant 0 : i32
        %dma_start3A_43 = tpu.memref_slice %dma_start3A_40[%dma_start3A_41, %dma_start3A_42] : memref<10000x128xf32, #tpu.memory_space<hbm>> -> memref<16x128xf32, #tpu.memory_space<hbm>>
        %dma_start3A_44 = arith.constant 9984 : i32
        %dma_start3A_45 = arith.constant 0 : i32
        %dma_start3A_46 = tpu.memref_slice %arg9[%dma_start3A_44, %dma_start3A_45] : memref<10000x128xf32, #tpu.memory_space<vmem_shared>> -> memref<16x128xf32, #tpu.memory_space<vmem_shared>>
        tpu.enqueue_dma source(%dma_start3A_46 : memref<16x128xf32, #tpu.memory_space<vmem_shared>>) target(%dma_start3A_43 : memref<16x128xf32, #tpu.memory_space<hbm>>) target_semaphore(%run_scoped3A : memref<!tpu.dma_semaphore, #tpu.memory_space<semaphore_mem>>)
        %dma_wait3A = arith.constant 0 : i32
        %dma_wait3A_47 = arith.constant 0 : i32
        %dma_wait3A_48 = tpu.memref_slice %arg5[%arg0, %dma_wait3A, %dma_wait3A_47] : memref<2x10000x128xf32, #tpu.memory_space<hbm>> -> memref<1x10000x128xf32, #tpu.memory_space<hbm>>
        %dma_wait3A_49 = tpu.memref_squeeze %dma_wait3A_48 : memref<1x10000x128xf32, #tpu.memory_space<hbm>> -> memref<10000x128xf32, #tpu.memory_space<hbm>>
        %dma_wait3A_50 = arith.constant 9984 : i32
        %dma_wait3A_51 = arith.constant 0 : i32
        %dma_wait3A_52 = tpu.memref_slice %dma_wait3A_49[%dma_wait3A_50, %dma_wait3A_51] : memref<10000x128xf32, #tpu.memory_space<hbm>> -> memref<16x128xf32, #tpu.memory_space<hbm>>
        %dma_wait3A_53 = arith.constant 9984 : i32
        %dma_wait3A_54 = arith.constant 0 : i32
        %dma_wait3A_55 = tpu.memref_slice %arg9[%dma_wait3A_53, %dma_wait3A_54] : memref<10000x128xf32, #tpu.memory_space<vmem_shared>> -> memref<16x128xf32, #tpu.memory_space<vmem_shared>>
        tpu.wait_dma2 semaphore(%run_scoped3A : memref<!tpu.dma_semaphore, #tpu.memory_space<semaphore_mem>>) src(%dma_wait3A_55 : memref<16x128xf32, #tpu.memory_space<vmem_shared>>) dst(%dma_wait3A_52 : memref<16x128xf32, #tpu.memory_space<hbm>>)
        tpu.yield
      }) : () -> ()
    } else {
    }
    return
  }
}

#map = affine_map<(d0, d1) -> (0, 0)>
#map1 = affine_map<(d0, d1) -> (0, 0, 0)>
#map2 = affine_map<(d0, d1) -> (0)>
module attributes {stable_mosaic.version = 14 : i64} {
  func.func @k(%arg0: i32, %arg1: i32, %arg2: memref<327680x128xf32, #tpu.memory_space<hbm>>, %arg3: memref<32x160x64xi32, #tpu.memory_space<hbm>>, %arg4: memref<32x160x64xi32, #tpu.memory_space<hbm>>, %arg5: memref<10000x128xf32, #tpu.memory_space<hbm>>, %arg6: memref<10240x128xf32, #tpu.memory_space<hbm>>, %arg7: memref<10240xi32, #tpu.memory_space<hbm>>, %arg8: memref<10000x128xf32, #tpu.memory_space<hbm>>, %arg9: memref<2x10000x128xf32, #tpu.memory_space<hbm>>, %arg10: memref<16x64xi32, #tpu.memory_space<vmem>>, %arg11: memref<16x64xi32, #tpu.memory_space<vmem>>, %arg12: memref<64x128xf32, #tpu.memory_space<vmem>>, %arg13: memref<64x128xf32, #tpu.memory_space<vmem>>, %arg14: memref<64x128xf32, #tpu.memory_space<vmem>>, %arg15: memref<64x128xf32, #tpu.memory_space<vmem>>, %arg16: memref<10000x128xf32, #tpu.memory_space<vmem_shared>>, %arg17: memref<!tpu.dma_semaphore, #tpu.memory_space<semaphore_mem>>, %arg18: memref<!tpu.dma_semaphore, #tpu.memory_space<semaphore_mem>>, %arg19: memref<!tpu.dma_semaphore, #tpu.memory_space<semaphore_mem>>, %arg20: memref<!tpu.dma_semaphore, #tpu.memory_space<semaphore_mem>>, %arg21: memref<!tpu.dma_semaphore, #tpu.memory_space<semaphore_mem>>, %arg22: memref<!tpu.dma_semaphore, #tpu.memory_space<semaphore_mem>>) attributes {dimension_semantics = [#tpu.dimension_semantics<core_parallel>, #tpu.dimension_semantics<subcore_parallel>], iteration_bounds = array<i64: 2, 16>, scalar_prefetch = 0 : i64, scratch_operands = 13 : i64, tpu.core_type = #tpu.core_type<sc_vector_subcore>, window_params = [{transform_indices = #map}, {transform_indices = #map1}, {transform_indices = #map1}, {transform_indices = #map}, {transform_indices = #map}, {transform_indices = #map2}, {transform_indices = #map}, {transform_indices = #map1}]} {
    %mul3A = arith.constant 2 : i32
    %mul3A_0 = arith.muli %arg1, %mul3A : i32
    %add3A = arith.addi %mul3A_0, %arg0 : i32
    %mul3A_1 = arith.constant 160 : i32
    %mul3A_2 = arith.muli %add3A, %mul3A_1 : i32
    %mul3A_3 = arith.constant 64 : i32
    %mul3A_4 = arith.muli %mul3A_2, %mul3A_3 : i32
    %mul3A_5 = arith.constant 624 : i32
    %mul3A_6 = arith.muli %arg1, %mul3A_5 : i32
    %mul3A_7 = arith.constant 624 : i32
    %mul3A_8 = arith.muli %arg1, %mul3A_7 : i32
    "tpu.region"() ({
      %run_scoped3A = tpu.sem_alloc : memref<!tpu.dma_semaphore, #tpu.memory_space<semaphore_mem>>
      %dma_start3A = arith.constant 0 : i32
      %dma_start3A_32 = tpu.memref_slice %arg16[%mul3A_8, %dma_start3A] : memref<10000x128xf32, #tpu.memory_space<vmem_shared>> -> memref<624x128xf32, #tpu.memory_space<vmem_shared>>
      %dma_start3A_33 = arith.constant 0 : i32
      %dma_start3A_34 = tpu.memref_slice %arg8[%mul3A_6, %dma_start3A_33] : memref<10000x128xf32, #tpu.memory_space<hbm>> -> memref<624x128xf32, #tpu.memory_space<hbm>>
      tpu.enqueue_dma source(%dma_start3A_34 : memref<624x128xf32, #tpu.memory_space<hbm>>) target(%dma_start3A_32 : memref<624x128xf32, #tpu.memory_space<vmem_shared>>) target_semaphore(%run_scoped3A : memref<!tpu.dma_semaphore, #tpu.memory_space<semaphore_mem>>)
      %dma_wait3A = arith.constant 0 : i32
      %dma_wait3A_35 = tpu.memref_slice %arg16[%mul3A_8, %dma_wait3A] : memref<10000x128xf32, #tpu.memory_space<vmem_shared>> -> memref<624x128xf32, #tpu.memory_space<vmem_shared>>
      %dma_wait3A_36 = arith.constant 0 : i32
      %dma_wait3A_37 = tpu.memref_slice %arg8[%mul3A_6, %dma_wait3A_36] : memref<10000x128xf32, #tpu.memory_space<hbm>> -> memref<624x128xf32, #tpu.memory_space<hbm>>
      tpu.wait_dma2 semaphore(%run_scoped3A : memref<!tpu.dma_semaphore, #tpu.memory_space<semaphore_mem>>) src(%dma_wait3A_37 : memref<624x128xf32, #tpu.memory_space<hbm>>) dst(%dma_wait3A_35 : memref<624x128xf32, #tpu.memory_space<vmem_shared>>)
      tpu.yield
    }) : () -> ()
    %eq3A = arith.constant 15 : i32
    %eq3A_9 = arith.cmpi eq, %arg1, %eq3A : i32
    %convert_element_type3A = arith.extui %eq3A_9 : i1 to i32
    %cond3A = arith.constant 0 : i32
    %cond3A_10 = arith.cmpi ne, %convert_element_type3A, %cond3A : i32
    scf.if %cond3A_10 {
      "tpu.region"() ({
        %run_scoped3A = tpu.sem_alloc : memref<!tpu.dma_semaphore, #tpu.memory_space<semaphore_mem>>
        %dma_start3A = arith.constant 9984 : i32
        %dma_start3A_32 = arith.constant 0 : i32
        %dma_start3A_33 = tpu.memref_slice %arg16[%dma_start3A, %dma_start3A_32] : memref<10000x128xf32, #tpu.memory_space<vmem_shared>> -> memref<16x128xf32, #tpu.memory_space<vmem_shared>>
        %dma_start3A_34 = arith.constant 9984 : i32
        %dma_start3A_35 = arith.constant 0 : i32
        %dma_start3A_36 = tpu.memref_slice %arg8[%dma_start3A_34, %dma_start3A_35] : memref<10000x128xf32, #tpu.memory_space<hbm>> -> memref<16x128xf32, #tpu.memory_space<hbm>>
        tpu.enqueue_dma source(%dma_start3A_36 : memref<16x128xf32, #tpu.memory_space<hbm>>) target(%dma_start3A_33 : memref<16x128xf32, #tpu.memory_space<vmem_shared>>) target_semaphore(%run_scoped3A : memref<!tpu.dma_semaphore, #tpu.memory_space<semaphore_mem>>)
        %dma_wait3A = arith.constant 9984 : i32
        %dma_wait3A_37 = arith.constant 0 : i32
        %dma_wait3A_38 = tpu.memref_slice %arg16[%dma_wait3A, %dma_wait3A_37] : memref<10000x128xf32, #tpu.memory_space<vmem_shared>> -> memref<16x128xf32, #tpu.memory_space<vmem_shared>>
        %dma_wait3A_39 = arith.constant 9984 : i32
        %dma_wait3A_40 = arith.constant 0 : i32
        %dma_wait3A_41 = tpu.memref_slice %arg8[%dma_wait3A_39, %dma_wait3A_40] : memref<10000x128xf32, #tpu.memory_space<hbm>> -> memref<16x128xf32, #tpu.memory_space<hbm>>
        tpu.wait_dma2 semaphore(%run_scoped3A : memref<!tpu.dma_semaphore, #tpu.memory_space<semaphore_mem>>) src(%dma_wait3A_41 : memref<16x128xf32, #tpu.memory_space<hbm>>) dst(%dma_wait3A_38 : memref<16x128xf32, #tpu.memory_space<vmem_shared>>)
        tpu.yield
      }) : () -> ()
    } else {
    }
    %barrier3A = arith.constant 0 : index
    tpu.barrier barrier_id(%barrier3A)
    %scan3A = arith.constant 0 : i32
    %scan3A_11 = arith.constant 0 : i32
    %scan3A_12 = arith.constant 10 : i32
    %scan3A_13 = arith.addi %scan3A_11, %scan3A_12 : i32
    %scan3A_14 = arith.constant 1 : i32
    scf.for %scan3A_32 = %scan3A_11 to %scan3A_13 step %scan3A_14  : i32 {
      %mul3A_33 = arith.constant 16 : i32
      %mul3A_34 = arith.muli %scan3A_32, %mul3A_33 : i32
      "tpu.region"() ({
        %run_scoped3A = tpu.sem_alloc : memref<!tpu.dma_semaphore, #tpu.memory_space<semaphore_mem>>
        %dma_start3A_74 = arith.constant 0 : i32
        %dma_start3A_75 = tpu.memref_slice %arg3[%add3A, %mul3A_34, %dma_start3A_74] : memref<32x160x64xi32, #tpu.memory_space<hbm>> -> memref<1x16x64xi32, #tpu.memory_space<hbm>>
        %dma_start3A_76 = tpu.memref_squeeze %dma_start3A_75 : memref<1x16x64xi32, #tpu.memory_space<hbm>> -> memref<16x64xi32, #tpu.memory_space<hbm>>
        %dma_start3A_77 = arith.constant 0 : i32
        %dma_start3A_78 = tpu.memref_slice %arg3[%add3A, %mul3A_34, %dma_start3A_77] : memref<32x160x64xi32, #tpu.memory_space<hbm>> -> memref<1x16x64xi32, #tpu.memory_space<hbm>>
        %dma_start3A_79 = tpu.memref_squeeze %dma_start3A_78 : memref<1x16x64xi32, #tpu.memory_space<hbm>> -> memref<16x64xi32, #tpu.memory_space<hbm>>
        tpu.enqueue_dma source(%dma_start3A_79 : memref<16x64xi32, #tpu.memory_space<hbm>>) target(%arg10 : memref<16x64xi32, #tpu.memory_space<vmem>>) target_semaphore(%run_scoped3A : memref<!tpu.dma_semaphore, #tpu.memory_space<semaphore_mem>>)
        %dma_wait3A = arith.constant 0 : i32
        %dma_wait3A_80 = tpu.memref_slice %arg3[%add3A, %mul3A_34, %dma_wait3A] : memref<32x160x64xi32, #tpu.memory_space<hbm>> -> memref<1x16x64xi32, #tpu.memory_space<hbm>>
        %dma_wait3A_81 = tpu.memref_squeeze %dma_wait3A_80 : memref<1x16x64xi32, #tpu.memory_space<hbm>> -> memref<16x64xi32, #tpu.memory_space<hbm>>
        %dma_wait3A_82 = arith.constant 0 : i32
        %dma_wait3A_83 = tpu.memref_slice %arg3[%add3A, %mul3A_34, %dma_wait3A_82] : memref<32x160x64xi32, #tpu.memory_space<hbm>> -> memref<1x16x64xi32, #tpu.memory_space<hbm>>
        %dma_wait3A_84 = tpu.memref_squeeze %dma_wait3A_83 : memref<1x16x64xi32, #tpu.memory_space<hbm>> -> memref<16x64xi32, #tpu.memory_space<hbm>>
        tpu.wait_dma2 semaphore(%run_scoped3A : memref<!tpu.dma_semaphore, #tpu.memory_space<semaphore_mem>>) src(%dma_wait3A_84 : memref<16x64xi32, #tpu.memory_space<hbm>>) dst(%arg10 : memref<16x64xi32, #tpu.memory_space<vmem>>)
        tpu.yield
      }) : () -> ()
      %mul3A_35 = arith.constant 16 : i32
      %mul3A_36 = arith.muli %scan3A_32, %mul3A_35 : i32
      "tpu.region"() ({
        %run_scoped3A = tpu.sem_alloc : memref<!tpu.dma_semaphore, #tpu.memory_space<semaphore_mem>>
        %dma_start3A_74 = arith.constant 0 : i32
        %dma_start3A_75 = tpu.memref_slice %arg4[%add3A, %mul3A_36, %dma_start3A_74] : memref<32x160x64xi32, #tpu.memory_space<hbm>> -> memref<1x16x64xi32, #tpu.memory_space<hbm>>
        %dma_start3A_76 = tpu.memref_squeeze %dma_start3A_75 : memref<1x16x64xi32, #tpu.memory_space<hbm>> -> memref<16x64xi32, #tpu.memory_space<hbm>>
        %dma_start3A_77 = arith.constant 0 : i32
        %dma_start3A_78 = tpu.memref_slice %arg4[%add3A, %mul3A_36, %dma_start3A_77] : memref<32x160x64xi32, #tpu.memory_space<hbm>> -> memref<1x16x64xi32, #tpu.memory_space<hbm>>
        %dma_start3A_79 = tpu.memref_squeeze %dma_start3A_78 : memref<1x16x64xi32, #tpu.memory_space<hbm>> -> memref<16x64xi32, #tpu.memory_space<hbm>>
        tpu.enqueue_dma source(%dma_start3A_79 : memref<16x64xi32, #tpu.memory_space<hbm>>) target(%arg11 : memref<16x64xi32, #tpu.memory_space<vmem>>) target_semaphore(%run_scoped3A : memref<!tpu.dma_semaphore, #tpu.memory_space<semaphore_mem>>)
        %dma_wait3A = arith.constant 0 : i32
        %dma_wait3A_80 = tpu.memref_slice %arg4[%add3A, %mul3A_36, %dma_wait3A] : memref<32x160x64xi32, #tpu.memory_space<hbm>> -> memref<1x16x64xi32, #tpu.memory_space<hbm>>
        %dma_wait3A_81 = tpu.memref_squeeze %dma_wait3A_80 : memref<1x16x64xi32, #tpu.memory_space<hbm>> -> memref<16x64xi32, #tpu.memory_space<hbm>>
        %dma_wait3A_82 = arith.constant 0 : i32
        %dma_wait3A_83 = tpu.memref_slice %arg4[%add3A, %mul3A_36, %dma_wait3A_82] : memref<32x160x64xi32, #tpu.memory_space<hbm>> -> memref<1x16x64xi32, #tpu.memory_space<hbm>>
        %dma_wait3A_84 = tpu.memref_squeeze %dma_wait3A_83 : memref<1x16x64xi32, #tpu.memory_space<hbm>> -> memref<16x64xi32, #tpu.memory_space<hbm>>
        tpu.wait_dma2 semaphore(%run_scoped3A : memref<!tpu.dma_semaphore, #tpu.memory_space<semaphore_mem>>) src(%dma_wait3A_84 : memref<16x64xi32, #tpu.memory_space<hbm>>) dst(%arg11 : memref<16x64xi32, #tpu.memory_space<vmem>>)
        tpu.yield
      }) : () -> ()
      %mul3A_37 = arith.constant 16 : i32
      %mul3A_38 = arith.muli %scan3A_32, %mul3A_37 : i32
      %dma_start3A = arith.constant 0 : i32
      %dma_start3A_39 = arith.constant 0 : i32
      %dma_start3A_40 = tpu.memref_slice %arg11[%dma_start3A, %dma_start3A_39] : memref<16x64xi32, #tpu.memory_space<vmem>> -> memref<1x64xi32, #tpu.memory_space<vmem>>
      %dma_start3A_41 = tpu.memref_squeeze %dma_start3A_40 : memref<1x64xi32, #tpu.memory_space<vmem>> -> memref<64xi32, #tpu.memory_space<vmem>>
      %dma_start3A_42 = arith.constant 0 : i32
      %dma_start3A_43 = arith.constant 0 : i32
      %dma_start3A_44 = tpu.memref_slice %arg5[%dma_start3A_42, %dma_start3A_43] : memref<10000x128xf32, #tpu.memory_space<hbm>> -> memref<10000x128xf32, #tpu.memory_space<hbm>>
      tpu.enqueue_indirect_dma source(%dma_start3A_44 : memref<10000x128xf32, #tpu.memory_space<hbm>>) target(%arg14 : memref<64x128xf32, #tpu.memory_space<vmem>>) offsets(%dma_start3A_41 : memref<64xi32, #tpu.memory_space<vmem>>) semaphore(%arg17 : memref<!tpu.dma_semaphore, #tpu.memory_space<semaphore_mem>>)
      %mul3A_45 = arith.constant 64 : i32
      %mul3A_46 = arith.muli %mul3A_38, %mul3A_45 : i32
      %add3A_47 = arith.addi %mul3A_4, %mul3A_46 : i32
      %dma_start3A_48 = arith.constant 0 : i32
      %dma_start3A_49 = tpu.memref_slice %arg2[%add3A_47, %dma_start3A_48] : memref<327680x128xf32, #tpu.memory_space<hbm>> -> memref<64x128xf32, #tpu.memory_space<hbm>>
      %dma_start3A_50 = arith.constant 0 : i32
      %dma_start3A_51 = tpu.memref_slice %arg2[%add3A_47, %dma_start3A_50] : memref<327680x128xf32, #tpu.memory_space<hbm>> -> memref<64x128xf32, #tpu.memory_space<hbm>>
      tpu.enqueue_dma source(%dma_start3A_51 : memref<64x128xf32, #tpu.memory_space<hbm>>) target(%arg12 : memref<64x128xf32, #tpu.memory_space<vmem>>) target_semaphore(%arg19 : memref<!tpu.dma_semaphore, #tpu.memory_space<semaphore_mem>>)
      %dma_start3A_52 = arith.constant 1 : i32
      %dma_start3A_53 = arith.constant 0 : i32
      %dma_start3A_54 = tpu.memref_slice %arg11[%dma_start3A_52, %dma_start3A_53] : memref<16x64xi32, #tpu.memory_space<vmem>> -> memref<1x64xi32, #tpu.memory_space<vmem>>
      %dma_start3A_55 = tpu.memref_squeeze %dma_start3A_54 : memref<1x64xi32, #tpu.memory_space<vmem>> -> memref<64xi32, #tpu.memory_space<vmem>>
      %dma_start3A_56 = arith.constant 0 : i32
      %dma_start3A_57 = arith.constant 0 : i32
      %dma_start3A_58 = tpu.memref_slice %arg5[%dma_start3A_56, %dma_start3A_57] : memref<10000x128xf32, #tpu.memory_space<hbm>> -> memref<10000x128xf32, #tpu.memory_space<hbm>>
      tpu.enqueue_indirect_dma source(%dma_start3A_58 : memref<10000x128xf32, #tpu.memory_space<hbm>>) target(%arg15 : memref<64x128xf32, #tpu.memory_space<vmem>>) offsets(%dma_start3A_55 : memref<64xi32, #tpu.memory_space<vmem>>) semaphore(%arg18 : memref<!tpu.dma_semaphore, #tpu.memory_space<semaphore_mem>>)
      %add3A_59 = arith.constant 1 : i32
      %add3A_60 = arith.addi %mul3A_38, %add3A_59 : i32
      %mul3A_61 = arith.constant 64 : i32
      %mul3A_62 = arith.muli %add3A_60, %mul3A_61 : i32
      %add3A_63 = arith.addi %mul3A_4, %mul3A_62 : i32
      %dma_start3A_64 = arith.constant 0 : i32
      %dma_start3A_65 = tpu.memref_slice %arg2[%add3A_63, %dma_start3A_64] : memref<327680x128xf32, #tpu.memory_space<hbm>> -> memref<64x128xf32, #tpu.memory_space<hbm>>
      %dma_start3A_66 = arith.constant 0 : i32
      %dma_start3A_67 = tpu.memref_slice %arg2[%add3A_63, %dma_start3A_66] : memref<327680x128xf32, #tpu.memory_space<hbm>> -> memref<64x128xf32, #tpu.memory_space<hbm>>
      tpu.enqueue_dma source(%dma_start3A_67 : memref<64x128xf32, #tpu.memory_space<hbm>>) target(%arg13 : memref<64x128xf32, #tpu.memory_space<vmem>>) target_semaphore(%arg20 : memref<!tpu.dma_semaphore, #tpu.memory_space<semaphore_mem>>)
      %scan3A_68 = arith.constant 0 : i32
      %scan3A_69 = arith.constant 0 : i32
      %scan3A_70 = arith.constant 8 : i32
      %scan3A_71 = arith.addi %scan3A_69, %scan3A_70 : i32
      %scan3A_72 = arith.constant 1 : i32
      scf.for %scan3A_74 = %scan3A_69 to %scan3A_71 step %scan3A_72  : i32 {
        %mul3A_75 = arith.constant 2 : i32
        %mul3A_76 = arith.muli %mul3A_75, %scan3A_74 : i32
        %add3A_77 = arith.addi %mul3A_38, %mul3A_76 : i32
        %mul3A_78 = arith.constant 2 : i32
        %mul3A_79 = arith.muli %mul3A_78, %scan3A_74 : i32
        %dma_wait3A = arith.constant 0 : i32
        %dma_wait3A_80 = tpu.memref_slice %arg11[%mul3A_79, %dma_wait3A] : memref<16x64xi32, #tpu.memory_space<vmem>> -> memref<1x64xi32, #tpu.memory_space<vmem>>
        %dma_wait3A_81 = tpu.memref_squeeze %dma_wait3A_80 : memref<1x64xi32, #tpu.memory_space<vmem>> -> memref<64xi32, #tpu.memory_space<vmem>>
        %dma_wait3A_82 = arith.constant 0 : i32
        %dma_wait3A_83 = arith.constant 0 : i32
        %dma_wait3A_84 = tpu.memref_slice %arg5[%dma_wait3A_82, %dma_wait3A_83] : memref<10000x128xf32, #tpu.memory_space<hbm>> -> memref<10000x128xf32, #tpu.memory_space<hbm>>
        tpu.wait_indirect_dma semaphore(%arg17 : memref<!tpu.dma_semaphore, #tpu.memory_space<semaphore_mem>>) src(%dma_wait3A_84 : memref<10000x128xf32, #tpu.memory_space<hbm>>) dst(%arg14 : memref<64x128xf32, #tpu.memory_space<vmem>>)
        %mul3A_85 = arith.constant 64 : i32
        %mul3A_86 = arith.muli %add3A_77, %mul3A_85 : i32
        %add3A_87 = arith.addi %mul3A_4, %mul3A_86 : i32
        %dma_wait3A_88 = arith.constant 0 : i32
        %dma_wait3A_89 = tpu.memref_slice %arg2[%add3A_87, %dma_wait3A_88] : memref<327680x128xf32, #tpu.memory_space<hbm>> -> memref<64x128xf32, #tpu.memory_space<hbm>>
        %dma_wait3A_90 = arith.constant 0 : i32
        %dma_wait3A_91 = tpu.memref_slice %arg2[%add3A_87, %dma_wait3A_90] : memref<327680x128xf32, #tpu.memory_space<hbm>> -> memref<64x128xf32, #tpu.memory_space<hbm>>
        tpu.wait_dma2 semaphore(%arg19 : memref<!tpu.dma_semaphore, #tpu.memory_space<semaphore_mem>>) src(%dma_wait3A_91 : memref<64x128xf32, #tpu.memory_space<hbm>>) dst(%arg12 : memref<64x128xf32, #tpu.memory_space<vmem>>)
        %scan3A_92 = arith.constant 0 : i32
        %scan3A_93 = arith.constant 0 : i32
        %scan3A_94 = arith.constant 64 : i32
        %scan3A_95 = arith.addi %scan3A_93, %scan3A_94 : i32
        %scan3A_96 = arith.constant 1 : i32
        scf.for %scan3A_168 = %scan3A_93 to %scan3A_95 step %scan3A_96  : i32 {
          %get3A = arith.index_cast %scan3A_168 : i32 to index
          %get3A_169 = arith.constant 0 : index
          %get3A_170 = tpu.vector_load %arg12[%get3A, %get3A_169] {strides = array<i32>} : memref<64x128xf32, #tpu.memory_space<vmem>>, vector<1x16xf32>,
          %get3A_171 = vector.shape_cast %get3A_170 : vector<1x16xf32> to vector<16xf32>
          %get3A_172 = arith.index_cast %scan3A_168 : i32 to index
          %get3A_173 = arith.constant 0 : index
          %get3A_174 = tpu.vector_load %arg14[%get3A_172, %get3A_173] {strides = array<i32>} : memref<64x128xf32, #tpu.memory_space<vmem>>, vector<1x16xf32>,
          %get3A_175 = vector.shape_cast %get3A_174 : vector<1x16xf32> to vector<16xf32>
          %mul3A_176 = arith.mulf %get3A_171, %get3A_175 : vector<16xf32>
          %swap3A = arith.index_cast %scan3A_168 : i32 to index
          %swap3A_177 = arith.constant 0 : index
          %swap3A_178 = tpu.vector_load %arg12[%swap3A, %swap3A_177] {strides = array<i32>} : memref<64x128xf32, #tpu.memory_space<vmem>>, vector<1x16xf32>,
          %swap3A_179 = vector.shape_cast %swap3A_178 : vector<1x16xf32> to vector<16xf32>
          %swap3A_180 = vector.shape_cast %mul3A_176 : vector<16xf32> to vector<1x16xf32>
          tpu.vector_store %arg12[%swap3A, %swap3A_177], %swap3A_180 {strides = array<i32>} : memref<64x128xf32, #tpu.memory_space<vmem>>, vector<1x16xf32>,
          %get3A_181 = arith.index_cast %scan3A_168 : i32 to index
          %get3A_182 = arith.constant 16 : index
          %get3A_183 = tpu.vector_load %arg12[%get3A_181, %get3A_182] {strides = array<i32>} : memref<64x128xf32, #tpu.memory_space<vmem>>, vector<1x16xf32>,
          %get3A_184 = vector.shape_cast %get3A_183 : vector<1x16xf32> to vector<16xf32>
          %get3A_185 = arith.index_cast %scan3A_168 : i32 to index
          %get3A_186 = arith.constant 16 : index
          %get3A_187 = tpu.vector_load %arg14[%get3A_185, %get3A_186] {strides = array<i32>} : memref<64x128xf32, #tpu.memory_space<vmem>>, vector<1x16xf32>,
          %get3A_188 = vector.shape_cast %get3A_187 : vector<1x16xf32> to vector<16xf32>
          %mul3A_189 = arith.mulf %get3A_184, %get3A_188 : vector<16xf32>
          %swap3A_190 = arith.index_cast %scan3A_168 : i32 to index
          %swap3A_191 = arith.constant 16 : index
          %swap3A_192 = tpu.vector_load %arg12[%swap3A_190, %swap3A_191] {strides = array<i32>} : memref<64x128xf32, #tpu.memory_space<vmem>>, vector<1x16xf32>,
          %swap3A_193 = vector.shape_cast %swap3A_192 : vector<1x16xf32> to vector<16xf32>
          %swap3A_194 = vector.shape_cast %mul3A_189 : vector<16xf32> to vector<1x16xf32>
          tpu.vector_store %arg12[%swap3A_190, %swap3A_191], %swap3A_194 {strides = array<i32>} : memref<64x128xf32, #tpu.memory_space<vmem>>, vector<1x16xf32>,
          %get3A_195 = arith.index_cast %scan3A_168 : i32 to index
          %get3A_196 = arith.constant 32 : index
          %get3A_197 = tpu.vector_load %arg12[%get3A_195, %get3A_196] {strides = array<i32>} : memref<64x128xf32, #tpu.memory_space<vmem>>, vector<1x16xf32>,
          %get3A_198 = vector.shape_cast %get3A_197 : vector<1x16xf32> to vector<16xf32>
          %get3A_199 = arith.index_cast %scan3A_168 : i32 to index
          %get3A_200 = arith.constant 32 : index
          %get3A_201 = tpu.vector_load %arg14[%get3A_199, %get3A_200] {strides = array<i32>} : memref<64x128xf32, #tpu.memory_space<vmem>>, vector<1x16xf32>,
          %get3A_202 = vector.shape_cast %get3A_201 : vector<1x16xf32> to vector<16xf32>
          %mul3A_203 = arith.mulf %get3A_198, %get3A_202 : vector<16xf32>
          %swap3A_204 = arith.index_cast %scan3A_168 : i32 to index
          %swap3A_205 = arith.constant 32 : index
          %swap3A_206 = tpu.vector_load %arg12[%swap3A_204, %swap3A_205] {strides = array<i32>} : memref<64x128xf32, #tpu.memory_space<vmem>>, vector<1x16xf32>,
          %swap3A_207 = vector.shape_cast %swap3A_206 : vector<1x16xf32> to vector<16xf32>
          %swap3A_208 = vector.shape_cast %mul3A_203 : vector<16xf32> to vector<1x16xf32>
          tpu.vector_store %arg12[%swap3A_204, %swap3A_205], %swap3A_208 {strides = array<i32>} : memref<64x128xf32, #tpu.memory_space<vmem>>, vector<1x16xf32>,
          %get3A_209 = arith.index_cast %scan3A_168 : i32 to index
          %get3A_210 = arith.constant 48 : index
          %get3A_211 = tpu.vector_load %arg12[%get3A_209, %get3A_210] {strides = array<i32>} : memref<64x128xf32, #tpu.memory_space<vmem>>, vector<1x16xf32>,
          %get3A_212 = vector.shape_cast %get3A_211 : vector<1x16xf32> to vector<16xf32>
          %get3A_213 = arith.index_cast %scan3A_168 : i32 to index
          %get3A_214 = arith.constant 48 : index
          %get3A_215 = tpu.vector_load %arg14[%get3A_213, %get3A_214] {strides = array<i32>} : memref<64x128xf32, #tpu.memory_space<vmem>>, vector<1x16xf32>,
          %get3A_216 = vector.shape_cast %get3A_215 : vector<1x16xf32> to vector<16xf32>
          %mul3A_217 = arith.mulf %get3A_212, %get3A_216 : vector<16xf32>
          %swap3A_218 = arith.index_cast %scan3A_168 : i32 to index
          %swap3A_219 = arith.constant 48 : index
          %swap3A_220 = tpu.vector_load %arg12[%swap3A_218, %swap3A_219] {strides = array<i32>} : memref<64x128xf32, #tpu.memory_space<vmem>>, vector<1x16xf32>,
          %swap3A_221 = vector.shape_cast %swap3A_220 : vector<1x16xf32> to vector<16xf32>
          %swap3A_222 = vector.shape_cast %mul3A_217 : vector<16xf32> to vector<1x16xf32>
          tpu.vector_store %arg12[%swap3A_218, %swap3A_219], %swap3A_222 {strides = array<i32>} : memref<64x128xf32, #tpu.memory_space<vmem>>, vector<1x16xf32>,
          %get3A_223 = arith.index_cast %scan3A_168 : i32 to index
          %get3A_224 = arith.constant 64 : index
          %get3A_225 = tpu.vector_load %arg12[%get3A_223, %get3A_224] {strides = array<i32>} : memref<64x128xf32, #tpu.memory_space<vmem>>, vector<1x16xf32>,
          %get3A_226 = vector.shape_cast %get3A_225 : vector<1x16xf32> to vector<16xf32>
          %get3A_227 = arith.index_cast %scan3A_168 : i32 to index
          %get3A_228 = arith.constant 64 : index
          %get3A_229 = tpu.vector_load %arg14[%get3A_227, %get3A_228] {strides = array<i32>} : memref<64x128xf32, #tpu.memory_space<vmem>>, vector<1x16xf32>,
          %get3A_230 = vector.shape_cast %get3A_229 : vector<1x16xf32> to vector<16xf32>
          %mul3A_231 = arith.mulf %get3A_226, %get3A_230 : vector<16xf32>
          %swap3A_232 = arith.index_cast %scan3A_168 : i32 to index
          %swap3A_233 = arith.constant 64 : index
          %swap3A_234 = tpu.vector_load %arg12[%swap3A_232, %swap3A_233] {strides = array<i32>} : memref<64x128xf32, #tpu.memory_space<vmem>>, vector<1x16xf32>,
          %swap3A_235 = vector.shape_cast %swap3A_234 : vector<1x16xf32> to vector<16xf32>
          %swap3A_236 = vector.shape_cast %mul3A_231 : vector<16xf32> to vector<1x16xf32>
          tpu.vector_store %arg12[%swap3A_232, %swap3A_233], %swap3A_236 {strides = array<i32>} : memref<64x128xf32, #tpu.memory_space<vmem>>, vector<1x16xf32>,
          %get3A_237 = arith.index_cast %scan3A_168 : i32 to index
          %get3A_238 = arith.constant 80 : index
          %get3A_239 = tpu.vector_load %arg12[%get3A_237, %get3A_238] {strides = array<i32>} : memref<64x128xf32, #tpu.memory_space<vmem>>, vector<1x16xf32>,
          %get3A_240 = vector.shape_cast %get3A_239 : vector<1x16xf32> to vector<16xf32>
          %get3A_241 = arith.index_cast %scan3A_168 : i32 to index
          %get3A_242 = arith.constant 80 : index
          %get3A_243 = tpu.vector_load %arg14[%get3A_241, %get3A_242] {strides = array<i32>} : memref<64x128xf32, #tpu.memory_space<vmem>>, vector<1x16xf32>,
          %get3A_244 = vector.shape_cast %get3A_243 : vector<1x16xf32> to vector<16xf32>
          %mul3A_245 = arith.mulf %get3A_240, %get3A_244 : vector<16xf32>
          %swap3A_246 = arith.index_cast %scan3A_168 : i32 to index
          %swap3A_247 = arith.constant 80 : index
          %swap3A_248 = tpu.vector_load %arg12[%swap3A_246, %swap3A_247] {strides = array<i32>} : memref<64x128xf32, #tpu.memory_space<vmem>>, vector<1x16xf32>,
          %swap3A_249 = vector.shape_cast %swap3A_248 : vector<1x16xf32> to vector<16xf32>
          %swap3A_250 = vector.shape_cast %mul3A_245 : vector<16xf32> to vector<1x16xf32>
          tpu.vector_store %arg12[%swap3A_246, %swap3A_247], %swap3A_250 {strides = array<i32>} : memref<64x128xf32, #tpu.memory_space<vmem>>, vector<1x16xf32>,
          %get3A_251 = arith.index_cast %scan3A_168 : i32 to index
          %get3A_252 = arith.constant 96 : index
          %get3A_253 = tpu.vector_load %arg12[%get3A_251, %get3A_252] {strides = array<i32>} : memref<64x128xf32, #tpu.memory_space<vmem>>, vector<1x16xf32>,
          %get3A_254 = vector.shape_cast %get3A_253 : vector<1x16xf32> to vector<16xf32>
          %get3A_255 = arith.index_cast %scan3A_168 : i32 to index
          %get3A_256 = arith.constant 96 : index
          %get3A_257 = tpu.vector_load %arg14[%get3A_255, %get3A_256] {strides = array<i32>} : memref<64x128xf32, #tpu.memory_space<vmem>>, vector<1x16xf32>,
          %get3A_258 = vector.shape_cast %get3A_257 : vector<1x16xf32> to vector<16xf32>
          %mul3A_259 = arith.mulf %get3A_254, %get3A_258 : vector<16xf32>
          %swap3A_260 = arith.index_cast %scan3A_168 : i32 to index
          %swap3A_261 = arith.constant 96 : index
          %swap3A_262 = tpu.vector_load %arg12[%swap3A_260, %swap3A_261] {strides = array<i32>} : memref<64x128xf32, #tpu.memory_space<vmem>>, vector<1x16xf32>,
          %swap3A_263 = vector.shape_cast %swap3A_262 : vector<1x16xf32> to vector<16xf32>
          %swap3A_264 = vector.shape_cast %mul3A_259 : vector<16xf32> to vector<1x16xf32>
          tpu.vector_store %arg12[%swap3A_260, %swap3A_261], %swap3A_264 {strides = array<i32>} : memref<64x128xf32, #tpu.memory_space<vmem>>, vector<1x16xf32>,
          %get3A_265 = arith.index_cast %scan3A_168 : i32 to index
          %get3A_266 = arith.constant 112 : index
          %get3A_267 = tpu.vector_load %arg12[%get3A_265, %get3A_266] {strides = array<i32>} : memref<64x128xf32, #tpu.memory_space<vmem>>, vector<1x16xf32>,
          %get3A_268 = vector.shape_cast %get3A_267 : vector<1x16xf32> to vector<16xf32>
          %get3A_269 = arith.index_cast %scan3A_168 : i32 to index
          %get3A_270 = arith.constant 112 : index
          %get3A_271 = tpu.vector_load %arg14[%get3A_269, %get3A_270] {strides = array<i32>} : memref<64x128xf32, #tpu.memory_space<vmem>>, vector<1x16xf32>,
          %get3A_272 = vector.shape_cast %get3A_271 : vector<1x16xf32> to vector<16xf32>
          %mul3A_273 = arith.mulf %get3A_268, %get3A_272 : vector<16xf32>
          %swap3A_274 = arith.index_cast %scan3A_168 : i32 to index
          %swap3A_275 = arith.constant 112 : index
          %swap3A_276 = tpu.vector_load %arg12[%swap3A_274, %swap3A_275] {strides = array<i32>} : memref<64x128xf32, #tpu.memory_space<vmem>>, vector<1x16xf32>,
          %swap3A_277 = vector.shape_cast %swap3A_276 : vector<1x16xf32> to vector<16xf32>
          %swap3A_278 = vector.shape_cast %mul3A_273 : vector<16xf32> to vector<1x16xf32>
          tpu.vector_store %arg12[%swap3A_274, %swap3A_275], %swap3A_278 {strides = array<i32>} : memref<64x128xf32, #tpu.memory_space<vmem>>, vector<1x16xf32>,
        }
        %scan3A_97 = arith.constant 64 : i32
        %mul3A_98 = arith.constant 2 : i32
        %mul3A_99 = arith.muli %mul3A_98, %scan3A_74 : i32
        %dma_start3A_100 = arith.constant 0 : i32
        %dma_start3A_101 = tpu.memref_slice %arg10[%mul3A_99, %dma_start3A_100] : memref<16x64xi32, #tpu.memory_space<vmem>> -> memref<1x64xi32, #tpu.memory_space<vmem>>
        %dma_start3A_102 = tpu.memref_squeeze %dma_start3A_101 : memref<1x64xi32, #tpu.memory_space<vmem>> -> memref<64xi32, #tpu.memory_space<vmem>>
        %dma_start3A_103 = arith.constant 0 : i32
        %dma_start3A_104 = arith.constant 0 : i32
        %dma_start3A_105 = tpu.memref_slice %arg16[%dma_start3A_103, %dma_start3A_104] : memref<10000x128xf32, #tpu.memory_space<vmem_shared>> -> memref<10000x128xf32, #tpu.memory_space<vmem_shared>>
        tpu.enqueue_indirect_dma source(%arg12 : memref<64x128xf32, #tpu.memory_space<vmem>>) target(%dma_start3A_105 : memref<10000x128xf32, #tpu.memory_space<vmem_shared>>) offsets(%dma_start3A_102 : memref<64xi32, #tpu.memory_space<vmem>>) semaphore(%arg21 : memref<!tpu.dma_semaphore, #tpu.memory_space<semaphore_mem>>) {add = true}
        %mul3A_106 = arith.constant 2 : i32
        %mul3A_107 = arith.muli %mul3A_106, %scan3A_74 : i32
        %add3A_108 = arith.constant 1 : i32
        %add3A_109 = arith.addi %mul3A_107, %add3A_108 : i32
        %dma_wait3A_110 = arith.constant 0 : i32
        %dma_wait3A_111 = tpu.memref_slice %arg11[%add3A_109, %dma_wait3A_110] : memref<16x64xi32, #tpu.memory_space<vmem>> -> memref<1x64xi32, #tpu.memory_space<vmem>>
        %dma_wait3A_112 = tpu.memref_squeeze %dma_wait3A_111 : memref<1x64xi32, #tpu.memory_space<vmem>> -> memref<64xi32, #tpu.memory_space<vmem>>
        %dma_wait3A_113 = arith.constant 0 : i32
        %dma_wait3A_114 = arith.constant 0 : i32
        %dma_wait3A_115 = tpu.memref_slice %arg5[%dma_wait3A_113, %dma_wait3A_114] : memref<10000x128xf32, #tpu.memory_space<hbm>> -> memref<10000x128xf32, #tpu.memory_space<hbm>>
        tpu.wait_indirect_dma semaphore(%arg18 : memref<!tpu.dma_semaphore, #tpu.memory_space<semaphore_mem>>) src(%dma_wait3A_115 : memref<10000x128xf32, #tpu.memory_space<hbm>>) dst(%arg15 : memref<64x128xf32, #tpu.memory_space<vmem>>)
        %add3A_116 = arith.constant 1 : i32
        %add3A_117 = arith.addi %add3A_77, %add3A_116 : i32
        %mul3A_118 = arith.constant 64 : i32
        %mul3A_119 = arith.muli %add3A_117, %mul3A_118 : i32
        %add3A_120 = arith.addi %mul3A_4, %mul3A_119 : i32
        %dma_wait3A_121 = arith.constant 0 : i32
        %dma_wait3A_122 = tpu.memref_slice %arg2[%add3A_120, %dma_wait3A_121] : memref<327680x128xf32, #tpu.memory_space<hbm>> -> memref<64x128xf32, #tpu.memory_space<hbm>>
        %dma_wait3A_123 = arith.constant 0 : i32
        %dma_wait3A_124 = tpu.memref_slice %arg2[%add3A_120, %dma_wait3A_123] : memref<327680x128xf32, #tpu.memory_space<hbm>> -> memref<64x128xf32, #tpu.memory_space<hbm>>
        tpu.wait_dma2 semaphore(%arg20 : memref<!tpu.dma_semaphore, #tpu.memory_space<semaphore_mem>>) src(%dma_wait3A_124 : memref<64x128xf32, #tpu.memory_space<hbm>>) dst(%arg13 : memref<64x128xf32, #tpu.memory_space<vmem>>)
        %scan3A_125 = arith.constant 0 : i32
        %scan3A_126 = arith.constant 0 : i32
        %scan3A_127 = arith.constant 64 : i32
        %scan3A_128 = arith.addi %scan3A_126, %scan3A_127 : i32
        %scan3A_129 = arith.constant 1 : i32
        scf.for %scan3A_168 = %scan3A_126 to %scan3A_128 step %scan3A_129  : i32 {
          %get3A = arith.index_cast %scan3A_168 : i32 to index
          %get3A_169 = arith.constant 0 : index
          %get3A_170 = tpu.vector_load %arg13[%get3A, %get3A_169] {strides = array<i32>} : memref<64x128xf32, #tpu.memory_space<vmem>>, vector<1x16xf32>,
          %get3A_171 = vector.shape_cast %get3A_170 : vector<1x16xf32> to vector<16xf32>
          %get3A_172 = arith.index_cast %scan3A_168 : i32 to index
          %get3A_173 = arith.constant 0 : index
          %get3A_174 = tpu.vector_load %arg15[%get3A_172, %get3A_173] {strides = array<i32>} : memref<64x128xf32, #tpu.memory_space<vmem>>, vector<1x16xf32>,
          %get3A_175 = vector.shape_cast %get3A_174 : vector<1x16xf32> to vector<16xf32>
          %mul3A_176 = arith.mulf %get3A_171, %get3A_175 : vector<16xf32>
          %swap3A = arith.index_cast %scan3A_168 : i32 to index
          %swap3A_177 = arith.constant 0 : index
          %swap3A_178 = tpu.vector_load %arg13[%swap3A, %swap3A_177] {strides = array<i32>} : memref<64x128xf32, #tpu.memory_space<vmem>>, vector<1x16xf32>,
          %swap3A_179 = vector.shape_cast %swap3A_178 : vector<1x16xf32> to vector<16xf32>
          %swap3A_180 = vector.shape_cast %mul3A_176 : vector<16xf32> to vector<1x16xf32>
          tpu.vector_store %arg13[%swap3A, %swap3A_177], %swap3A_180 {strides = array<i32>} : memref<64x128xf32, #tpu.memory_space<vmem>>, vector<1x16xf32>,
          %get3A_181 = arith.index_cast %scan3A_168 : i32 to index
          %get3A_182 = arith.constant 16 : index
          %get3A_183 = tpu.vector_load %arg13[%get3A_181, %get3A_182] {strides = array<i32>} : memref<64x128xf32, #tpu.memory_space<vmem>>, vector<1x16xf32>,
          %get3A_184 = vector.shape_cast %get3A_183 : vector<1x16xf32> to vector<16xf32>
          %get3A_185 = arith.index_cast %scan3A_168 : i32 to index
          %get3A_186 = arith.constant 16 : index
          %get3A_187 = tpu.vector_load %arg15[%get3A_185, %get3A_186] {strides = array<i32>} : memref<64x128xf32, #tpu.memory_space<vmem>>, vector<1x16xf32>,
          %get3A_188 = vector.shape_cast %get3A_187 : vector<1x16xf32> to vector<16xf32>
          %mul3A_189 = arith.mulf %get3A_184, %get3A_188 : vector<16xf32>
          %swap3A_190 = arith.index_cast %scan3A_168 : i32 to index
          %swap3A_191 = arith.constant 16 : index
          %swap3A_192 = tpu.vector_load %arg13[%swap3A_190, %swap3A_191] {strides = array<i32>} : memref<64x128xf32, #tpu.memory_space<vmem>>, vector<1x16xf32>,
          %swap3A_193 = vector.shape_cast %swap3A_192 : vector<1x16xf32> to vector<16xf32>
          %swap3A_194 = vector.shape_cast %mul3A_189 : vector<16xf32> to vector<1x16xf32>
          tpu.vector_store %arg13[%swap3A_190, %swap3A_191], %swap3A_194 {strides = array<i32>} : memref<64x128xf32, #tpu.memory_space<vmem>>, vector<1x16xf32>,
          %get3A_195 = arith.index_cast %scan3A_168 : i32 to index
          %get3A_196 = arith.constant 32 : index
          %get3A_197 = tpu.vector_load %arg13[%get3A_195, %get3A_196] {strides = array<i32>} : memref<64x128xf32, #tpu.memory_space<vmem>>, vector<1x16xf32>,
          %get3A_198 = vector.shape_cast %get3A_197 : vector<1x16xf32> to vector<16xf32>
          %get3A_199 = arith.index_cast %scan3A_168 : i32 to index
          %get3A_200 = arith.constant 32 : index
          %get3A_201 = tpu.vector_load %arg15[%get3A_199, %get3A_200] {strides = array<i32>} : memref<64x128xf32, #tpu.memory_space<vmem>>, vector<1x16xf32>,
          %get3A_202 = vector.shape_cast %get3A_201 : vector<1x16xf32> to vector<16xf32>
          %mul3A_203 = arith.mulf %get3A_198, %get3A_202 : vector<16xf32>
          %swap3A_204 = arith.index_cast %scan3A_168 : i32 to index
          %swap3A_205 = arith.constant 32 : index
          %swap3A_206 = tpu.vector_load %arg13[%swap3A_204, %swap3A_205] {strides = array<i32>} : memref<64x128xf32, #tpu.memory_space<vmem>>, vector<1x16xf32>,
          %swap3A_207 = vector.shape_cast %swap3A_206 : vector<1x16xf32> to vector<16xf32>
          %swap3A_208 = vector.shape_cast %mul3A_203 : vector<16xf32> to vector<1x16xf32>
          tpu.vector_store %arg13[%swap3A_204, %swap3A_205], %swap3A_208 {strides = array<i32>} : memref<64x128xf32, #tpu.memory_space<vmem>>, vector<1x16xf32>,
          %get3A_209 = arith.index_cast %scan3A_168 : i32 to index
          %get3A_210 = arith.constant 48 : index
          %get3A_211 = tpu.vector_load %arg13[%get3A_209, %get3A_210] {strides = array<i32>} : memref<64x128xf32, #tpu.memory_space<vmem>>, vector<1x16xf32>,
          %get3A_212 = vector.shape_cast %get3A_211 : vector<1x16xf32> to vector<16xf32>
          %get3A_213 = arith.index_cast %scan3A_168 : i32 to index
          %get3A_214 = arith.constant 48 : index
          %get3A_215 = tpu.vector_load %arg15[%get3A_213, %get3A_214] {strides = array<i32>} : memref<64x128xf32, #tpu.memory_space<vmem>>, vector<1x16xf32>,
          %get3A_216 = vector.shape_cast %get3A_215 : vector<1x16xf32> to vector<16xf32>
          %mul3A_217 = arith.mulf %get3A_212, %get3A_216 : vector<16xf32>
          %swap3A_218 = arith.index_cast %scan3A_168 : i32 to index
          %swap3A_219 = arith.constant 48 : index
          %swap3A_220 = tpu.vector_load %arg13[%swap3A_218, %swap3A_219] {strides = array<i32>} : memref<64x128xf32, #tpu.memory_space<vmem>>, vector<1x16xf32>,
          %swap3A_221 = vector.shape_cast %swap3A_220 : vector<1x16xf32> to vector<16xf32>
          %swap3A_222 = vector.shape_cast %mul3A_217 : vector<16xf32> to vector<1x16xf32>
          tpu.vector_store %arg13[%swap3A_218, %swap3A_219], %swap3A_222 {strides = array<i32>} : memref<64x128xf32, #tpu.memory_space<vmem>>, vector<1x16xf32>,
          %get3A_223 = arith.index_cast %scan3A_168 : i32 to index
          %get3A_224 = arith.constant 64 : index
          %get3A_225 = tpu.vector_load %arg13[%get3A_223, %get3A_224] {strides = array<i32>} : memref<64x128xf32, #tpu.memory_space<vmem>>, vector<1x16xf32>,
          %get3A_226 = vector.shape_cast %get3A_225 : vector<1x16xf32> to vector<16xf32>
          %get3A_227 = arith.index_cast %scan3A_168 : i32 to index
          %get3A_228 = arith.constant 64 : index
          %get3A_229 = tpu.vector_load %arg15[%get3A_227, %get3A_228] {strides = array<i32>} : memref<64x128xf32, #tpu.memory_space<vmem>>, vector<1x16xf32>,
          %get3A_230 = vector.shape_cast %get3A_229 : vector<1x16xf32> to vector<16xf32>
          %mul3A_231 = arith.mulf %get3A_226, %get3A_230 : vector<16xf32>
          %swap3A_232 = arith.index_cast %scan3A_168 : i32 to index
          %swap3A_233 = arith.constant 64 : index
          %swap3A_234 = tpu.vector_load %arg13[%swap3A_232, %swap3A_233] {strides = array<i32>} : memref<64x128xf32, #tpu.memory_space<vmem>>, vector<1x16xf32>,
          %swap3A_235 = vector.shape_cast %swap3A_234 : vector<1x16xf32> to vector<16xf32>
          %swap3A_236 = vector.shape_cast %mul3A_231 : vector<16xf32> to vector<1x16xf32>
          tpu.vector_store %arg13[%swap3A_232, %swap3A_233], %swap3A_236 {strides = array<i32>} : memref<64x128xf32, #tpu.memory_space<vmem>>, vector<1x16xf32>,
          %get3A_237 = arith.index_cast %scan3A_168 : i32 to index
          %get3A_238 = arith.constant 80 : index
          %get3A_239 = tpu.vector_load %arg13[%get3A_237, %get3A_238] {strides = array<i32>} : memref<64x128xf32, #tpu.memory_space<vmem>>, vector<1x16xf32>,
          %get3A_240 = vector.shape_cast %get3A_239 : vector<1x16xf32> to vector<16xf32>
          %get3A_241 = arith.index_cast %scan3A_168 : i32 to index
          %get3A_242 = arith.constant 80 : index
          %get3A_243 = tpu.vector_load %arg15[%get3A_241, %get3A_242] {strides = array<i32>} : memref<64x128xf32, #tpu.memory_space<vmem>>, vector<1x16xf32>,
          %get3A_244 = vector.shape_cast %get3A_243 : vector<1x16xf32> to vector<16xf32>
          %mul3A_245 = arith.mulf %get3A_240, %get3A_244 : vector<16xf32>
          %swap3A_246 = arith.index_cast %scan3A_168 : i32 to index
          %swap3A_247 = arith.constant 80 : index
          %swap3A_248 = tpu.vector_load %arg13[%swap3A_246, %swap3A_247] {strides = array<i32>} : memref<64x128xf32, #tpu.memory_space<vmem>>, vector<1x16xf32>,
          %swap3A_249 = vector.shape_cast %swap3A_248 : vector<1x16xf32> to vector<16xf32>
          %swap3A_250 = vector.shape_cast %mul3A_245 : vector<16xf32> to vector<1x16xf32>
          tpu.vector_store %arg13[%swap3A_246, %swap3A_247], %swap3A_250 {strides = array<i32>} : memref<64x128xf32, #tpu.memory_space<vmem>>, vector<1x16xf32>,
          %get3A_251 = arith.index_cast %scan3A_168 : i32 to index
          %get3A_252 = arith.constant 96 : index
          %get3A_253 = tpu.vector_load %arg13[%get3A_251, %get3A_252] {strides = array<i32>} : memref<64x128xf32, #tpu.memory_space<vmem>>, vector<1x16xf32>,
          %get3A_254 = vector.shape_cast %get3A_253 : vector<1x16xf32> to vector<16xf32>
          %get3A_255 = arith.index_cast %scan3A_168 : i32 to index
          %get3A_256 = arith.constant 96 : index
          %get3A_257 = tpu.vector_load %arg15[%get3A_255, %get3A_256] {strides = array<i32>} : memref<64x128xf32, #tpu.memory_space<vmem>>, vector<1x16xf32>,
          %get3A_258 = vector.shape_cast %get3A_257 : vector<1x16xf32> to vector<16xf32>
          %mul3A_259 = arith.mulf %get3A_254, %get3A_258 : vector<16xf32>
          %swap3A_260 = arith.index_cast %scan3A_168 : i32 to index
          %swap3A_261 = arith.constant 96 : index
          %swap3A_262 = tpu.vector_load %arg13[%swap3A_260, %swap3A_261] {strides = array<i32>} : memref<64x128xf32, #tpu.memory_space<vmem>>, vector<1x16xf32>,
          %swap3A_263 = vector.shape_cast %swap3A_262 : vector<1x16xf32> to vector<16xf32>
          %swap3A_264 = vector.shape_cast %mul3A_259 : vector<16xf32> to vector<1x16xf32>
          tpu.vector_store %arg13[%swap3A_260, %swap3A_261], %swap3A_264 {strides = array<i32>} : memref<64x128xf32, #tpu.memory_space<vmem>>, vector<1x16xf32>,
          %get3A_265 = arith.index_cast %scan3A_168 : i32 to index
          %get3A_266 = arith.constant 112 : index
          %get3A_267 = tpu.vector_load %arg13[%get3A_265, %get3A_266] {strides = array<i32>} : memref<64x128xf32, #tpu.memory_space<vmem>>, vector<1x16xf32>,
          %get3A_268 = vector.shape_cast %get3A_267 : vector<1x16xf32> to vector<16xf32>
          %get3A_269 = arith.index_cast %scan3A_168 : i32 to index
          %get3A_270 = arith.constant 112 : index
          %get3A_271 = tpu.vector_load %arg15[%get3A_269, %get3A_270] {strides = array<i32>} : memref<64x128xf32, #tpu.memory_space<vmem>>, vector<1x16xf32>,
          %get3A_272 = vector.shape_cast %get3A_271 : vector<1x16xf32> to vector<16xf32>
          %mul3A_273 = arith.mulf %get3A_268, %get3A_272 : vector<16xf32>
          %swap3A_274 = arith.index_cast %scan3A_168 : i32 to index
          %swap3A_275 = arith.constant 112 : index
          %swap3A_276 = tpu.vector_load %arg13[%swap3A_274, %swap3A_275] {strides = array<i32>} : memref<64x128xf32, #tpu.memory_space<vmem>>, vector<1x16xf32>,
          %swap3A_277 = vector.shape_cast %swap3A_276 : vector<1x16xf32> to vector<16xf32>
          %swap3A_278 = vector.shape_cast %mul3A_273 : vector<16xf32> to vector<1x16xf32>
          tpu.vector_store %arg13[%swap3A_274, %swap3A_275], %swap3A_278 {strides = array<i32>} : memref<64x128xf32, #tpu.memory_space<vmem>>, vector<1x16xf32>,
        }
        %scan3A_130 = arith.constant 64 : i32
        %mul3A_131 = arith.constant 2 : i32
        %mul3A_132 = arith.muli %mul3A_131, %scan3A_74 : i32
        %add3A_133 = arith.constant 1 : i32
        %add3A_134 = arith.addi %mul3A_132, %add3A_133 : i32
        %dma_start3A_135 = arith.constant 0 : i32
        %dma_start3A_136 = tpu.memref_slice %arg10[%add3A_134, %dma_start3A_135] : memref<16x64xi32, #tpu.memory_space<vmem>> -> memref<1x64xi32, #tpu.memory_space<vmem>>
        %dma_start3A_137 = tpu.memref_squeeze %dma_start3A_136 : memref<1x64xi32, #tpu.memory_space<vmem>> -> memref<64xi32, #tpu.memory_space<vmem>>
        %dma_start3A_138 = arith.constant 0 : i32
        %dma_start3A_139 = arith.constant 0 : i32
        %dma_start3A_140 = tpu.memref_slice %arg16[%dma_start3A_138, %dma_start3A_139] : memref<10000x128xf32, #tpu.memory_space<vmem_shared>> -> memref<10000x128xf32, #tpu.memory_space<vmem_shared>>
        tpu.enqueue_indirect_dma source(%arg13 : memref<64x128xf32, #tpu.memory_space<vmem>>) target(%dma_start3A_140 : memref<10000x128xf32, #tpu.memory_space<vmem_shared>>) offsets(%dma_start3A_137 : memref<64xi32, #tpu.memory_space<vmem>>) semaphore(%arg22 : memref<!tpu.dma_semaphore, #tpu.memory_space<semaphore_mem>>) {add = true}
        %mul3A_141 = arith.constant 2 : i32
        %mul3A_142 = arith.muli %mul3A_141, %scan3A_74 : i32
        %dma_wait3A_143 = arith.constant 0 : i32
        %dma_wait3A_144 = tpu.memref_slice %arg10[%mul3A_142, %dma_wait3A_143] : memref<16x64xi32, #tpu.memory_space<vmem>> -> memref<1x64xi32, #tpu.memory_space<vmem>>
        %dma_wait3A_145 = tpu.memref_squeeze %dma_wait3A_144 : memref<1x64xi32, #tpu.memory_space<vmem>> -> memref<64xi32, #tpu.memory_space<vmem>>
        %dma_wait3A_146 = arith.constant 0 : i32
        %dma_wait3A_147 = arith.constant 0 : i32
        %dma_wait3A_148 = tpu.memref_slice %arg16[%dma_wait3A_146, %dma_wait3A_147] : memref<10000x128xf32, #tpu.memory_space<vmem_shared>> -> memref<10000x128xf32, #tpu.memory_space<vmem_shared>>
        tpu.wait_indirect_dma semaphore(%arg21 : memref<!tpu.dma_semaphore, #tpu.memory_space<semaphore_mem>>) src(%arg12 : memref<64x128xf32, #tpu.memory_space<vmem>>) dst(%dma_wait3A_148 : memref<10000x128xf32, #tpu.memory_space<vmem_shared>>)
        %lt3A = arith.constant 7 : i32
        %lt3A_149 = arith.cmpi slt, %scan3A_74, %lt3A : i32
        %convert_element_type3A_150 = arith.extui %lt3A_149 : i1 to i32
        %cond3A_151 = arith.constant 0 : i32
        %cond3A_152 = arith.cmpi ne, %convert_element_type3A_150, %cond3A_151 : i32
        scf.if %cond3A_152 {
          %mul3A_168 = arith.constant 2 : i32
          %mul3A_169 = arith.muli %mul3A_168, %scan3A_74 : i32
          %add3A_170 = arith.constant 2 : i32
          %add3A_171 = arith.addi %mul3A_169, %add3A_170 : i32
          %dma_start3A_172 = arith.constant 0 : i32
          %dma_start3A_173 = tpu.memref_slice %arg11[%add3A_171, %dma_start3A_172] : memref<16x64xi32, #tpu.memory_space<vmem>> -> memref<1x64xi32, #tpu.memory_space<vmem>>
          %dma_start3A_174 = tpu.memref_squeeze %dma_start3A_173 : memref<1x64xi32, #tpu.memory_space<vmem>> -> memref<64xi32, #tpu.memory_space<vmem>>
          %dma_start3A_175 = arith.constant 0 : i32
          %dma_start3A_176 = arith.constant 0 : i32
          %dma_start3A_177 = tpu.memref_slice %arg5[%dma_start3A_175, %dma_start3A_176] : memref<10000x128xf32, #tpu.memory_space<hbm>> -> memref<10000x128xf32, #tpu.memory_space<hbm>>
          tpu.enqueue_indirect_dma source(%dma_start3A_177 : memref<10000x128xf32, #tpu.memory_space<hbm>>) target(%arg14 : memref<64x128xf32, #tpu.memory_space<vmem>>) offsets(%dma_start3A_174 : memref<64xi32, #tpu.memory_space<vmem>>) semaphore(%arg17 : memref<!tpu.dma_semaphore, #tpu.memory_space<semaphore_mem>>)
          %add3A_178 = arith.constant 2 : i32
          %add3A_179 = arith.addi %add3A_77, %add3A_178 : i32
          %mul3A_180 = arith.constant 64 : i32
          %mul3A_181 = arith.muli %add3A_179, %mul3A_180 : i32
          %add3A_182 = arith.addi %mul3A_4, %mul3A_181 : i32
          %dma_start3A_183 = arith.constant 0 : i32
          %dma_start3A_184 = tpu.memref_slice %arg2[%add3A_182, %dma_start3A_183] : memref<327680x128xf32, #tpu.memory_space<hbm>> -> memref<64x128xf32, #tpu.memory_space<hbm>>
          %dma_start3A_185 = arith.constant 0 : i32
          %dma_start3A_186 = tpu.memref_slice %arg2[%add3A_182, %dma_start3A_185] : memref<327680x128xf32, #tpu.memory_space<hbm>> -> memref<64x128xf32, #tpu.memory_space<hbm>>
          tpu.enqueue_dma source(%dma_start3A_186 : memref<64x128xf32, #tpu.memory_space<hbm>>) target(%arg12 : memref<64x128xf32, #tpu.memory_space<vmem>>) target_semaphore(%arg19 : memref<!tpu.dma_semaphore, #tpu.memory_space<semaphore_mem>>)
        } else {
        }
        %mul3A_153 = arith.constant 2 : i32
        %mul3A_154 = arith.muli %mul3A_153, %scan3A_74 : i32
        %add3A_155 = arith.constant 1 : i32
        %add3A_156 = arith.addi %mul3A_154, %add3A_155 : i32
        %dma_wait3A_157 = arith.constant 0 : i32
        %dma_wait3A_158 = tpu.memref_slice %arg10[%add3A_156, %dma_wait3A_157] : memref<16x64xi32, #tpu.memory_space<vmem>> -> memref<1x64xi32, #tpu.memory_space<vmem>>
        %dma_wait3A_159 = tpu.memref_squeeze %dma_wait3A_158 : memref<1x64xi32, #tpu.memory_space<vmem>> -> memref<64xi32, #tpu.memory_space<vmem>>
        %dma_wait3A_160 = arith.constant 0 : i32
        %dma_wait3A_161 = arith.constant 0 : i32
        %dma_wait3A_162 = tpu.memref_slice %arg16[%dma_wait3A_160, %dma_wait3A_161] : memref<10000x128xf32, #tpu.memory_space<vmem_shared>> -> memref<10000x128xf32, #tpu.memory_space<vmem_shared>>
        tpu.wait_indirect_dma semaphore(%arg22 : memref<!tpu.dma_semaphore, #tpu.memory_space<semaphore_mem>>) src(%arg13 : memref<64x128xf32, #tpu.memory_space<vmem>>) dst(%dma_wait3A_162 : memref<10000x128xf32, #tpu.memory_space<vmem_shared>>)
        %lt3A_163 = arith.constant 7 : i32
        %lt3A_164 = arith.cmpi slt, %scan3A_74, %lt3A_163 : i32
        %convert_element_type3A_165 = arith.extui %lt3A_164 : i1 to i32
        %cond3A_166 = arith.constant 0 : i32
        %cond3A_167 = arith.cmpi ne, %convert_element_type3A_165, %cond3A_166 : i32
        scf.if %cond3A_167 {
          %mul3A_168 = arith.constant 2 : i32
          %mul3A_169 = arith.muli %mul3A_168, %scan3A_74 : i32
          %add3A_170 = arith.constant 3 : i32
          %add3A_171 = arith.addi %mul3A_169, %add3A_170 : i32
          %dma_start3A_172 = arith.constant 0 : i32
          %dma_start3A_173 = tpu.memref_slice %arg11[%add3A_171, %dma_start3A_172] : memref<16x64xi32, #tpu.memory_space<vmem>> -> memref<1x64xi32, #tpu.memory_space<vmem>>
          %dma_start3A_174 = tpu.memref_squeeze %dma_start3A_173 : memref<1x64xi32, #tpu.memory_space<vmem>> -> memref<64xi32, #tpu.memory_space<vmem>>
          %dma_start3A_175 = arith.constant 0 : i32
          %dma_start3A_176 = arith.constant 0 : i32
          %dma_start3A_177 = tpu.memref_slice %arg5[%dma_start3A_175, %dma_start3A_176] : memref<10000x128xf32, #tpu.memory_space<hbm>> -> memref<10000x128xf32, #tpu.memory_space<hbm>>
          tpu.enqueue_indirect_dma source(%dma_start3A_177 : memref<10000x128xf32, #tpu.memory_space<hbm>>) target(%arg15 : memref<64x128xf32, #tpu.memory_space<vmem>>) offsets(%dma_start3A_174 : memref<64xi32, #tpu.memory_space<vmem>>) semaphore(%arg18 : memref<!tpu.dma_semaphore, #tpu.memory_space<semaphore_mem>>)
          %add3A_178 = arith.constant 3 : i32
          %add3A_179 = arith.addi %add3A_77, %add3A_178 : i32
          %mul3A_180 = arith.constant 64 : i32
          %mul3A_181 = arith.muli %add3A_179, %mul3A_180 : i32
          %add3A_182 = arith.addi %mul3A_4, %mul3A_181 : i32
          %dma_start3A_183 = arith.constant 0 : i32
          %dma_start3A_184 = tpu.memref_slice %arg2[%add3A_182, %dma_start3A_183] : memref<327680x128xf32, #tpu.memory_space<hbm>> -> memref<64x128xf32, #tpu.memory_space<hbm>>
          %dma_start3A_185 = arith.constant 0 : i32
          %dma_start3A_186 = tpu.memref_slice %arg2[%add3A_182, %dma_start3A_185] : memref<327680x128xf32, #tpu.memory_space<hbm>> -> memref<64x128xf32, #tpu.memory_space<hbm>>
          tpu.enqueue_dma source(%dma_start3A_186 : memref<64x128xf32, #tpu.memory_space<hbm>>) target(%arg13 : memref<64x128xf32, #tpu.memory_space<vmem>>) target_semaphore(%arg20 : memref<!tpu.dma_semaphore, #tpu.memory_space<semaphore_mem>>)
        } else {
        }
      }
      %scan3A_73 = arith.constant 8 : i32
    }
    %scan3A_15 = arith.constant 10 : i32
    %scan3A_16 = arith.constant 0 : i32
    %scan3A_17 = arith.constant 0 : i32
    %scan3A_18 = arith.constant 5 : i32
    %scan3A_19 = arith.addi %scan3A_17, %scan3A_18 : i32
    %scan3A_20 = arith.constant 1 : i32
    scf.for %scan3A_32 = %scan3A_17 to %scan3A_19 step %scan3A_20  : i32 {
      %mul3A_33 = arith.constant 5 : i32
      %mul3A_34 = arith.muli %add3A, %mul3A_33 : i32
      %add3A_35 = arith.addi %mul3A_34, %scan3A_32 : i32
      %mul3A_36 = arith.constant 64 : i32
      %mul3A_37 = arith.muli %add3A_35, %mul3A_36 : i32
      %run_scoped3A = arith.constant 0 : i32
      "tpu.region"() ({
        %run_scoped3A_39 = tpu.sem_alloc : memref<!tpu.dma_semaphore, #tpu.memory_space<semaphore_mem>>
        %dma_start3A = arith.constant 0 : i32
        %dma_start3A_40 = tpu.memref_slice %arg10[%run_scoped3A, %dma_start3A] : memref<16x64xi32, #tpu.memory_space<vmem>> -> memref<1x64xi32, #tpu.memory_space<vmem>>
        %dma_start3A_41 = tpu.memref_squeeze %dma_start3A_40 : memref<1x64xi32, #tpu.memory_space<vmem>> -> memref<64xi32, #tpu.memory_space<vmem>>
        %dma_start3A_42 = tpu.memref_slice %arg7[%mul3A_37] : memref<10240xi32, #tpu.memory_space<hbm>> -> memref<64xi32, #tpu.memory_space<hbm>>
        %dma_start3A_43 = arith.constant 0 : i32
        %dma_start3A_44 = tpu.memref_slice %arg10[%run_scoped3A, %dma_start3A_43] : memref<16x64xi32, #tpu.memory_space<vmem>> -> memref<1x64xi32, #tpu.memory_space<vmem>>
        %dma_start3A_45 = tpu.memref_squeeze %dma_start3A_44 : memref<1x64xi32, #tpu.memory_space<vmem>> -> memref<64xi32, #tpu.memory_space<vmem>>
        %dma_start3A_46 = tpu.memref_slice %arg7[%mul3A_37] : memref<10240xi32, #tpu.memory_space<hbm>> -> memref<64xi32, #tpu.memory_space<hbm>>
        tpu.enqueue_dma source(%dma_start3A_46 : memref<64xi32, #tpu.memory_space<hbm>>) target(%dma_start3A_45 : memref<64xi32, #tpu.memory_space<vmem>>) target_semaphore(%run_scoped3A_39 : memref<!tpu.dma_semaphore, #tpu.memory_space<semaphore_mem>>)
        %dma_wait3A = arith.constant 0 : i32
        %dma_wait3A_47 = tpu.memref_slice %arg10[%run_scoped3A, %dma_wait3A] : memref<16x64xi32, #tpu.memory_space<vmem>> -> memref<1x64xi32, #tpu.memory_space<vmem>>
        %dma_wait3A_48 = tpu.memref_squeeze %dma_wait3A_47 : memref<1x64xi32, #tpu.memory_space<vmem>> -> memref<64xi32, #tpu.memory_space<vmem>>
        %dma_wait3A_49 = tpu.memref_slice %arg7[%mul3A_37] : memref<10240xi32, #tpu.memory_space<hbm>> -> memref<64xi32, #tpu.memory_space<hbm>>
        %dma_wait3A_50 = arith.constant 0 : i32
        %dma_wait3A_51 = tpu.memref_slice %arg10[%run_scoped3A, %dma_wait3A_50] : memref<16x64xi32, #tpu.memory_space<vmem>> -> memref<1x64xi32, #tpu.memory_space<vmem>>
        %dma_wait3A_52 = tpu.memref_squeeze %dma_wait3A_51 : memref<1x64xi32, #tpu.memory_space<vmem>> -> memref<64xi32, #tpu.memory_space<vmem>>
        %dma_wait3A_53 = tpu.memref_slice %arg7[%mul3A_37] : memref<10240xi32, #tpu.memory_space<hbm>> -> memref<64xi32, #tpu.memory_space<hbm>>
        tpu.wait_dma2 semaphore(%run_scoped3A_39 : memref<!tpu.dma_semaphore, #tpu.memory_space<semaphore_mem>>) src(%dma_wait3A_53 : memref<64xi32, #tpu.memory_space<hbm>>) dst(%dma_wait3A_52 : memref<64xi32, #tpu.memory_space<vmem>>)
        tpu.yield
      }) : () -> ()
      "tpu.region"() ({
        %run_scoped3A_39 = tpu.sem_alloc : memref<!tpu.dma_semaphore, #tpu.memory_space<semaphore_mem>>
        %dma_start3A = arith.constant 0 : i32
        %dma_start3A_40 = tpu.memref_slice %arg6[%mul3A_37, %dma_start3A] : memref<10240x128xf32, #tpu.memory_space<hbm>> -> memref<64x128xf32, #tpu.memory_space<hbm>>
        %dma_start3A_41 = arith.constant 0 : i32
        %dma_start3A_42 = tpu.memref_slice %arg6[%mul3A_37, %dma_start3A_41] : memref<10240x128xf32, #tpu.memory_space<hbm>> -> memref<64x128xf32, #tpu.memory_space<hbm>>
        tpu.enqueue_dma source(%dma_start3A_42 : memref<64x128xf32, #tpu.memory_space<hbm>>) target(%arg12 : memref<64x128xf32, #tpu.memory_space<vmem>>) target_semaphore(%run_scoped3A_39 : memref<!tpu.dma_semaphore, #tpu.memory_space<semaphore_mem>>)
        %dma_wait3A = arith.constant 0 : i32
        %dma_wait3A_43 = tpu.memref_slice %arg6[%mul3A_37, %dma_wait3A] : memref<10240x128xf32, #tpu.memory_space<hbm>> -> memref<64x128xf32, #tpu.memory_space<hbm>>
        %dma_wait3A_44 = arith.constant 0 : i32
        %dma_wait3A_45 = tpu.memref_slice %arg6[%mul3A_37, %dma_wait3A_44] : memref<10240x128xf32, #tpu.memory_space<hbm>> -> memref<64x128xf32, #tpu.memory_space<hbm>>
        tpu.wait_dma2 semaphore(%run_scoped3A_39 : memref<!tpu.dma_semaphore, #tpu.memory_space<semaphore_mem>>) src(%dma_wait3A_45 : memref<64x128xf32, #tpu.memory_space<hbm>>) dst(%arg12 : memref<64x128xf32, #tpu.memory_space<vmem>>)
        tpu.yield
      }) : () -> ()
      %run_scoped3A_38 = arith.constant 0 : i32
      "tpu.region"() ({
        %run_scoped3A_39 = tpu.sem_alloc : memref<!tpu.dma_semaphore, #tpu.memory_space<semaphore_mem>>
        %dma_start3A = arith.constant 0 : i32
        %dma_start3A_40 = tpu.memref_slice %arg10[%run_scoped3A_38, %dma_start3A] : memref<16x64xi32, #tpu.memory_space<vmem>> -> memref<1x64xi32, #tpu.memory_space<vmem>>
        %dma_start3A_41 = tpu.memref_squeeze %dma_start3A_40 : memref<1x64xi32, #tpu.memory_space<vmem>> -> memref<64xi32, #tpu.memory_space<vmem>>
        %dma_start3A_42 = arith.constant 0 : i32
        %dma_start3A_43 = arith.constant 0 : i32
        %dma_start3A_44 = tpu.memref_slice %arg16[%dma_start3A_42, %dma_start3A_43] : memref<10000x128xf32, #tpu.memory_space<vmem_shared>> -> memref<10000x128xf32, #tpu.memory_space<vmem_shared>>
        tpu.enqueue_indirect_dma source(%arg12 : memref<64x128xf32, #tpu.memory_space<vmem>>) target(%dma_start3A_44 : memref<10000x128xf32, #tpu.memory_space<vmem_shared>>) offsets(%dma_start3A_41 : memref<64xi32, #tpu.memory_space<vmem>>) semaphore(%run_scoped3A_39 : memref<!tpu.dma_semaphore, #tpu.memory_space<semaphore_mem>>) {add = true}
        %dma_wait3A = arith.constant 0 : i32
        %dma_wait3A_45 = tpu.memref_slice %arg10[%run_scoped3A_38, %dma_wait3A] : memref<16x64xi32, #tpu.memory_space<vmem>> -> memref<1x64xi32, #tpu.memory_space<vmem>>
        %dma_wait3A_46 = tpu.memref_squeeze %dma_wait3A_45 : memref<1x64xi32, #tpu.memory_space<vmem>> -> memref<64xi32, #tpu.memory_space<vmem>>
        %dma_wait3A_47 = arith.constant 0 : i32
        %dma_wait3A_48 = arith.constant 0 : i32
        %dma_wait3A_49 = tpu.memref_slice %arg16[%dma_wait3A_47, %dma_wait3A_48] : memref<10000x128xf32, #tpu.memory_space<vmem_shared>> -> memref<10000x128xf32, #tpu.memory_space<vmem_shared>>
        tpu.wait_indirect_dma semaphore(%run_scoped3A_39 : memref<!tpu.dma_semaphore, #tpu.memory_space<semaphore_mem>>) src(%arg12 : memref<64x128xf32, #tpu.memory_space<vmem>>) dst(%dma_wait3A_49 : memref<10000x128xf32, #tpu.memory_space<vmem_shared>>)
        tpu.yield
      }) : () -> ()
    }
    %scan3A_21 = arith.constant 5 : i32
    %barrier3A_22 = arith.constant 0 : index
    tpu.barrier barrier_id(%barrier3A_22)
    %mul3A_23 = arith.constant 624 : i32
    %mul3A_24 = arith.muli %arg1, %mul3A_23 : i32
    %mul3A_25 = arith.constant 624 : i32
    %mul3A_26 = arith.muli %arg1, %mul3A_25 : i32
    "tpu.region"() ({
      %run_scoped3A = tpu.sem_alloc : memref<!tpu.dma_semaphore, #tpu.memory_space<semaphore_mem>>
      %dma_start3A = arith.constant 0 : i32
      %dma_start3A_32 = arith.constant 0 : i32
      %dma_start3A_33 = tpu.memref_slice %arg9[%arg0, %dma_start3A, %dma_start3A_32] : memref<2x10000x128xf32, #tpu.memory_space<hbm>> -> memref<1x10000x128xf32, #tpu.memory_space<hbm>>
      %dma_start3A_34 = tpu.memref_squeeze %dma_start3A_33 : memref<1x10000x128xf32, #tpu.memory_space<hbm>> -> memref<10000x128xf32, #tpu.memory_space<hbm>>
      %dma_start3A_35 = arith.constant 0 : i32
      %dma_start3A_36 = tpu.memref_slice %dma_start3A_34[%mul3A_26, %dma_start3A_35] : memref<10000x128xf32, #tpu.memory_space<hbm>> -> memref<624x128xf32, #tpu.memory_space<hbm>>
      %dma_start3A_37 = arith.constant 0 : i32
      %dma_start3A_38 = tpu.memref_slice %arg16[%mul3A_24, %dma_start3A_37] : memref<10000x128xf32, #tpu.memory_space<vmem_shared>> -> memref<624x128xf32, #tpu.memory_space<vmem_shared>>
      tpu.enqueue_dma source(%dma_start3A_38 : memref<624x128xf32, #tpu.memory_space<vmem_shared>>) target(%dma_start3A_36 : memref<624x128xf32, #tpu.memory_space<hbm>>) target_semaphore(%run_scoped3A : memref<!tpu.dma_semaphore, #tpu.memory_space<semaphore_mem>>)
      %dma_wait3A = arith.constant 0 : i32
      %dma_wait3A_39 = arith.constant 0 : i32
      %dma_wait3A_40 = tpu.memref_slice %arg9[%arg0, %dma_wait3A, %dma_wait3A_39] : memref<2x10000x128xf32, #tpu.memory_space<hbm>> -> memref<1x10000x128xf32, #tpu.memory_space<hbm>>
      %dma_wait3A_41 = tpu.memref_squeeze %dma_wait3A_40 : memref<1x10000x128xf32, #tpu.memory_space<hbm>> -> memref<10000x128xf32, #tpu.memory_space<hbm>>
      %dma_wait3A_42 = arith.constant 0 : i32
      %dma_wait3A_43 = tpu.memref_slice %dma_wait3A_41[%mul3A_26, %dma_wait3A_42] : memref<10000x128xf32, #tpu.memory_space<hbm>> -> memref<624x128xf32, #tpu.memory_space<hbm>>
      %dma_wait3A_44 = arith.constant 0 : i32
      %dma_wait3A_45 = tpu.memref_slice %arg16[%mul3A_24, %dma_wait3A_44] : memref<10000x128xf32, #tpu.memory_space<vmem_shared>> -> memref<624x128xf32, #tpu.memory_space<vmem_shared>>
      tpu.wait_dma2 semaphore(%run_scoped3A : memref<!tpu.dma_semaphore, #tpu.memory_space<semaphore_mem>>) src(%dma_wait3A_45 : memref<624x128xf32, #tpu.memory_space<vmem_shared>>) dst(%dma_wait3A_43 : memref<624x128xf32, #tpu.memory_space<hbm>>)
      tpu.yield
    }) : () -> ()
    %eq3A_27 = arith.constant 15 : i32
    %eq3A_28 = arith.cmpi eq, %arg1, %eq3A_27 : i32
    %convert_element_type3A_29 = arith.extui %eq3A_28 : i1 to i32
    %cond3A_30 = arith.constant 0 : i32
    %cond3A_31 = arith.cmpi ne, %convert_element_type3A_29, %cond3A_30 : i32
    scf.if %cond3A_31 {
      "tpu.region"() ({
        %run_scoped3A = tpu.sem_alloc : memref<!tpu.dma_semaphore, #tpu.memory_space<semaphore_mem>>
        %dma_start3A = arith.constant 0 : i32
        %dma_start3A_32 = arith.constant 0 : i32
        %dma_start3A_33 = tpu.memref_slice %arg9[%arg0, %dma_start3A, %dma_start3A_32] : memref<2x10000x128xf32, #tpu.memory_space<hbm>> -> memref<1x10000x128xf32, #tpu.memory_space<hbm>>
        %dma_start3A_34 = tpu.memref_squeeze %dma_start3A_33 : memref<1x10000x128xf32, #tpu.memory_space<hbm>> -> memref<10000x128xf32, #tpu.memory_space<hbm>>
        %dma_start3A_35 = arith.constant 9984 : i32
        %dma_start3A_36 = arith.constant 0 : i32
        %dma_start3A_37 = tpu.memref_slice %dma_start3A_34[%dma_start3A_35, %dma_start3A_36] : memref<10000x128xf32, #tpu.memory_space<hbm>> -> memref<16x128xf32, #tpu.memory_space<hbm>>
        %dma_start3A_38 = arith.constant 9984 : i32
        %dma_start3A_39 = arith.constant 0 : i32
        %dma_start3A_40 = tpu.memref_slice %arg16[%dma_start3A_38, %dma_start3A_39] : memref<10000x128xf32, #tpu.memory_space<vmem_shared>> -> memref<16x128xf32, #tpu.memory_space<vmem_shared>>
        tpu.enqueue_dma source(%dma_start3A_40 : memref<16x128xf32, #tpu.memory_space<vmem_shared>>) target(%dma_start3A_37 : memref<16x128xf32, #tpu.memory_space<hbm>>) target_semaphore(%run_scoped3A : memref<!tpu.dma_semaphore, #tpu.memory_space<semaphore_mem>>)
        %dma_wait3A = arith.constant 0 : i32
        %dma_wait3A_41 = arith.constant 0 : i32
        %dma_wait3A_42 = tpu.memref_slice %arg9[%arg0, %dma_wait3A, %dma_wait3A_41] : memref<2x10000x128xf32, #tpu.memory_space<hbm>> -> memref<1x10000x128xf32, #tpu.memory_space<hbm>>
        %dma_wait3A_43 = tpu.memref_squeeze %dma_wait3A_42 : memref<1x10000x128xf32, #tpu.memory_space<hbm>> -> memref<10000x128xf32, #tpu.memory_space<hbm>>
        %dma_wait3A_44 = arith.constant 9984 : i32
        %dma_wait3A_45 = arith.constant 0 : i32
        %dma_wait3A_46 = tpu.memref_slice %dma_wait3A_43[%dma_wait3A_44, %dma_wait3A_45] : memref<10000x128xf32, #tpu.memory_space<hbm>> -> memref<16x128xf32, #tpu.memory_space<hbm>>
        %dma_wait3A_47 = arith.constant 9984 : i32
        %dma_wait3A_48 = arith.constant 0 : i32
        %dma_wait3A_49 = tpu.memref_slice %arg16[%dma_wait3A_47, %dma_wait3A_48] : memref<10000x128xf32, #tpu.memory_space<vmem_shared>> -> memref<16x128xf32, #tpu.memory_space<vmem_shared>>
        tpu.wait_dma2 semaphore(%run_scoped3A : memref<!tpu.dma_semaphore, #tpu.memory_space<semaphore_mem>>) src(%dma_wait3A_49 : memref<16x128xf32, #tpu.memory_space<vmem_shared>>) dst(%dma_wait3A_46 : memref<16x128xf32, #tpu.memory_space<hbm>>)
        tpu.yield
      }) : () -> ()
    } else {
    }
    return
  }
}

module attributes {stable_mosaic.version = 14 : i64} {
  func.func @_three_kernel(%arg0: i32, %arg1: memref<64x128xf32, #tpu.memory_space<vmem>>, %arg2: memref<64x128xf32, #tpu.memory_space<vmem>>, %arg3: memref<64x128xf32, #tpu.memory_space<vmem>>, %arg4: memref<8x64xf32, #tpu.memory_space<vmem>>, %arg5: memref<64x128xf32, #tpu.memory_space<vmem>>, %arg6: memref<8x64xf32, #tpu.memory_space<vmem>>, %arg7: memref<64x128xf32, #tpu.memory_space<vmem>>, %arg8: memref<8192x128xf32, #tpu.memory_space<vmem>>) attributes {dimension_semantics = [#tpu.dimension_semantics<arbitrary>], iteration_bounds = array<i64: 64>, scalar_prefetch = 0 : i64, scratch_operands = 0 : i64, tpu.core_type = #tpu.core_type<tc>, window_params = [{transform_indices = @transform_0, window_bounds = array<i64: 64, 128>}, {transform_indices = @transform_1, window_bounds = array<i64: 64, 128>}, {transform_indices = @transform_2, window_bounds = array<i64: 64, 128>}, {pipeline_mode = #tpu.pipeline_mode<synchronous>, transform_indices = @transform_3, window_bounds = array<i64: 8, 64>}, {pipeline_mode = #tpu.pipeline_mode<synchronous>, transform_indices = @transform_4, window_bounds = array<i64: 64, 128>}, {pipeline_mode = #tpu.pipeline_mode<synchronous>, transform_indices = @transform_5, window_bounds = array<i64: 8, 64>}, {pipeline_mode = #tpu.pipeline_mode<synchronous>, transform_indices = @transform_6, window_bounds = array<i64: 64, 128>}, {transform_indices = @transform_7, window_bounds = array<i64: 8192, 128>}]} {
    %get3A = arith.constant 0 : index
    %get3A_0 = arith.constant 0 : index
    %get3A_1 = vector.load %arg1[%get3A, %get3A_0] : memref<64x128xf32, #tpu.memory_space<vmem>>, vector<64x128xf32>
    %reshape3A = vector.shape_cast %get3A_1 : vector<64x128xf32> to vector<1x8192xf32>
    %get3A_2 = arith.constant 0 : index
    %get3A_3 = arith.constant 0 : index
    %get3A_4 = vector.load %arg2[%get3A_2, %get3A_3] : memref<64x128xf32, #tpu.memory_space<vmem>>, vector<64x128xf32>
    %reshape3A_5 = vector.shape_cast %get3A_4 : vector<64x128xf32> to vector<1x8192xf32>
    %get3A_6 = arith.constant 0 : index
    %get3A_7 = arith.constant 0 : index
    %get3A_8 = vector.load %arg3[%get3A_6, %get3A_7] : memref<64x128xf32, #tpu.memory_space<vmem>>, vector<64x128xf32>
    %cos3A = math.cos %get3A_8 : vector<64x128xf32>
    %reshape3A_9 = vector.shape_cast %cos3A : vector<64x128xf32> to vector<1x8192xf32>
    %concatenate3A = tpu.concatenate %reshape3A, %reshape3A_5, %reshape3A_9 in 0 : vector<1x8192xf32>, vector<1x8192xf32>, vector<1x8192xf32> -> vector<3x8192xf32>
    %get3A_10 = arith.constant 0 : index
    %get3A_11 = arith.constant 0 : index
    %get3A_12 = vector.load %arg4[%get3A_10, %get3A_11] : memref<8x64xf32, #tpu.memory_space<vmem>>, vector<8x64xf32>
    %get3A_13 = arith.constant 0 : index
    %get3A_14 = arith.constant 0 : index
    %get3A_15 = vector.load %arg6[%get3A_13, %get3A_14] : memref<8x64xf32, #tpu.memory_space<vmem>>, vector<8x64xf32>
    %slice3A = vector.extract_strided_slice %get3A_12 {offsets = [0, 0], sizes = [3, 64], strides = [1, 1]} : vector<8x64xf32> to vector<3x64xf32>
    %dot_general3A = arith.constant dense<0.000000e+00> : vector<64x8192xf32>
    %dot_general3A_16 = tpu.matmul %slice3A, %concatenate3A, %dot_general3A {dimension_numbers = #tpu.dot_dimension_numbers<[0], [0], [1], [1], [0, 1, 1, 1], [], []>, transpose_lhs_hint = false} : vector<3x64xf32>, vector<3x8192xf32>, vector<64x8192xf32> -> vector<64x8192xf32>
    %slice3A_17 = vector.extract_strided_slice %get3A_15 {offsets = [0, 0], sizes = [3, 64], strides = [1, 1]} : vector<8x64xf32> to vector<3x64xf32>
    %dot_general3A_18 = arith.constant dense<0.000000e+00> : vector<64x8192xf32>
    %dot_general3A_19 = tpu.matmul %slice3A_17, %concatenate3A, %dot_general3A_18 {dimension_numbers = #tpu.dot_dimension_numbers<[0], [0], [1], [1], [0, 1, 1, 1], [], []>, transpose_lhs_hint = false} : vector<3x64xf32>, vector<3x8192xf32>, vector<64x8192xf32> -> vector<64x8192xf32>
    %logistic3A = arith.negf %dot_general3A_16 : vector<64x8192xf32>
    %logistic3A_20 = math.exp %logistic3A : vector<64x8192xf32>
    %logistic3A_21 = arith.constant 1.000000e+00 : f32
    %logistic3A_22 = vector.broadcast %logistic3A_21 : f32 to vector<64x8192xf32>
    %logistic3A_23 = arith.addf %logistic3A_22, %logistic3A_20 : vector<64x8192xf32>
    %logistic3A_24 = arith.divf %logistic3A_22, %logistic3A_23 : vector<64x8192xf32>
    %mul3A = arith.mulf %dot_general3A_16, %logistic3A_24 : vector<64x8192xf32>
    %convert_element_type3A = arith.truncf %mul3A : vector<64x8192xf32> to vector<64x8192xbf16>
    %get3A_25 = arith.constant 0 : index
    %get3A_26 = arith.constant 0 : index
    %get3A_27 = vector.load %arg5[%get3A_25, %get3A_26] : memref<64x128xf32, #tpu.memory_space<vmem>>, vector<64x128xf32>
    %convert_element_type3A_28 = arith.truncf %get3A_27 : vector<64x128xf32> to vector<64x128xbf16>
    %dot_general3A_29 = arith.constant dense<0.000000e+00> : vector<8192x128xf32>
    %dot_general3A_30 = tpu.matmul %convert_element_type3A, %convert_element_type3A_28, %dot_general3A_29 {dimension_numbers = #tpu.dot_dimension_numbers<[0], [0], [1], [1], [0, 1, 1, 1], [], []>, transpose_lhs_hint = false} : vector<64x8192xbf16>, vector<64x128xbf16>, vector<8192x128xf32> -> vector<8192x128xf32>
    %logistic3A_31 = arith.negf %dot_general3A_19 : vector<64x8192xf32>
    %logistic3A_32 = math.exp %logistic3A_31 : vector<64x8192xf32>
    %logistic3A_33 = arith.constant 1.000000e+00 : f32
    %logistic3A_34 = vector.broadcast %logistic3A_33 : f32 to vector<64x8192xf32>
    %logistic3A_35 = arith.addf %logistic3A_34, %logistic3A_32 : vector<64x8192xf32>
    %logistic3A_36 = arith.divf %logistic3A_34, %logistic3A_35 : vector<64x8192xf32>
    %mul3A_37 = arith.mulf %dot_general3A_19, %logistic3A_36 : vector<64x8192xf32>
    %convert_element_type3A_38 = arith.truncf %mul3A_37 : vector<64x8192xf32> to vector<64x8192xbf16>
    %get3A_39 = arith.constant 0 : index
    %get3A_40 = arith.constant 0 : index
    %get3A_41 = vector.load %arg7[%get3A_39, %get3A_40] : memref<64x128xf32, #tpu.memory_space<vmem>>, vector<64x128xf32>
    %convert_element_type3A_42 = arith.truncf %get3A_41 : vector<64x128xf32> to vector<64x128xbf16>
    %dot_general3A_43 = arith.constant dense<0.000000e+00> : vector<8192x128xf32>
    %dot_general3A_44 = tpu.matmul %convert_element_type3A_38, %convert_element_type3A_42, %dot_general3A_43 {dimension_numbers = #tpu.dot_dimension_numbers<[0], [0], [1], [1], [0, 1, 1, 1], [], []>, transpose_lhs_hint = false} : vector<64x8192xbf16>, vector<64x128xbf16>, vector<8192x128xf32> -> vector<8192x128xf32>
    %logistic3A_45 = arith.negf %dot_general3A_44 : vector<8192x128xf32>
    %logistic3A_46 = math.exp %logistic3A_45 : vector<8192x128xf32>
    %logistic3A_47 = arith.constant 1.000000e+00 : f32
    %logistic3A_48 = vector.broadcast %logistic3A_47 : f32 to vector<8192x128xf32>
    %logistic3A_49 = arith.addf %logistic3A_48, %logistic3A_46 : vector<8192x128xf32>
    %logistic3A_50 = arith.divf %logistic3A_48, %logistic3A_49 : vector<8192x128xf32>
    %mul3A_51 = arith.mulf %dot_general3A_30, %logistic3A_50 : vector<8192x128xf32>
    %swap3A = arith.constant 0 : index
    %swap3A_52 = arith.constant 0 : index
    %swap3A_53 = vector.load %arg8[%swap3A, %swap3A_52] : memref<8192x128xf32, #tpu.memory_space<vmem>>, vector<8192x128xf32>
    tpu.vector_store %arg8[%swap3A, %swap3A_52], %mul3A_51 {strides = array<i32>} : memref<8192x128xf32, #tpu.memory_space<vmem>>, vector<8192x128xf32>,
    return
  }
  func.func @transform_0(%arg0: i32) -> (i32, i32) {
    %c0_i32 = arith.constant 0 : i32
    %c0_i32_0 = arith.constant 0 : i32
    return %arg0, %c0_i32 : i32, i32
  }
  func.func @transform_1(%arg0: i32) -> (i32, i32) {
    %c0_i32 = arith.constant 0 : i32
    %c0_i32_0 = arith.constant 0 : i32
    return %arg0, %c0_i32 : i32, i32
  }
  func.func @transform_2(%arg0: i32) -> (i32, i32) {
    %c0_i32 = arith.constant 0 : i32
    %c0_i32_0 = arith.constant 0 : i32
    return %arg0, %c0_i32 : i32, i32
  }
  func.func @transform_3(%arg0: i32) -> (i32, i32) {
    %c0_i32 = arith.constant 0 : i32
    %c0_i32_0 = arith.constant 0 : i32
    %c0_i32_1 = arith.constant 0 : i32
    return %c0_i32, %c0_i32_0 : i32, i32
  }
  func.func @transform_4(%arg0: i32) -> (i32, i32) {
    %c0_i32 = arith.constant 0 : i32
    %c0_i32_0 = arith.constant 0 : i32
    %c0_i32_1 = arith.constant 0 : i32
    return %c0_i32, %c0_i32_0 : i32, i32
  }
  func.func @transform_5(%arg0: i32) -> (i32, i32) {
    %c0_i32 = arith.constant 0 : i32
    %c0_i32_0 = arith.constant 0 : i32
    %c0_i32_1 = arith.constant 0 : i32
    return %c0_i32, %c0_i32_0 : i32, i32
  }
  func.func @transform_6(%arg0: i32) -> (i32, i32) {
    %c0_i32 = arith.constant 0 : i32
    %c0_i32_0 = arith.constant 0 : i32
    %c0_i32_1 = arith.constant 0 : i32
    return %c0_i32, %c0_i32_0 : i32, i32
  }
  func.func @transform_7(%arg0: i32) -> (i32, i32) {
    %c0_i32 = arith.constant 0 : i32
    %c0_i32_0 = arith.constant 0 : i32
    return %arg0, %c0_i32 : i32, i32
  }
}

module attributes {stable_mosaic.version = 14 : i64} {
  func.func @_pre_kernel(%arg0: i32, %arg1: memref<2000x128xf32, #tpu.memory_space<vmem>>, %arg2: memref<128x128xf32, #tpu.memory_space<vmem>>, %arg3: memref<2000x128xf32, #tpu.memory_space<vmem>>) attributes {dimension_semantics = [#tpu.dimension_semantics<arbitrary>], iteration_bounds = array<i64: 5>, scalar_prefetch = 0 : i64, scratch_operands = 0 : i64, tpu.core_type = #tpu.core_type<tc>, window_params = [{transform_indices = @transform_0, window_bounds = array<i64: 2000, 128>}, {pipeline_mode = #tpu.pipeline_mode<synchronous>, transform_indices = @transform_1, window_bounds = array<i64: 128, 128>}, {transform_indices = @transform_2, window_bounds = array<i64: 2000, 128>}]} {
    %get3A = arith.constant 0 : index
    %get3A_0 = arith.constant 0 : index
    %get3A_1 = vector.load %arg1[%get3A, %get3A_0] : memref<2000x128xf32, #tpu.memory_space<vmem>>, vector<2000x128xf32>
    %get3A_2 = arith.constant 0 : index
    %get3A_3 = arith.constant 0 : index
    %get3A_4 = vector.load %arg2[%get3A_2, %get3A_3] : memref<128x128xf32, #tpu.memory_space<vmem>>, vector<128x128xf32>
    %dot_general3A = arith.constant dense<0.000000e+00> : vector<2000x128xf32>
    %dot_general3A_5 = tpu.matmul %get3A_1, %get3A_4, %dot_general3A {dimension_numbers = #tpu.dot_dimension_numbers<[1], [0], [0], [1], [0, 0, 1, 1], [], []>, transpose_lhs_hint = false} : vector<2000x128xf32>, vector<128x128xf32>, vector<2000x128xf32> -> vector<2000x128xf32>
    %swap3A = arith.constant 0 : index
    %swap3A_6 = arith.constant 0 : index
    %swap3A_7 = vector.load %arg3[%swap3A, %swap3A_6] : memref<2000x128xf32, #tpu.memory_space<vmem>>, vector<2000x128xf32>
    tpu.vector_store %arg3[%swap3A, %swap3A_6], %dot_general3A_5 {strides = array<i32>} : memref<2000x128xf32, #tpu.memory_space<vmem>>, vector<2000x128xf32>,
    return
  }
  func.func @transform_0(%arg0: i32) -> (i32, i32) {
    %c0_i32 = arith.constant 0 : i32
    %c0_i32_0 = arith.constant 0 : i32
    return %arg0, %c0_i32 : i32, i32
  }
  func.func @transform_1(%arg0: i32) -> (i32, i32) {
    %c0_i32 = arith.constant 0 : i32
    %c0_i32_0 = arith.constant 0 : i32
    %c0_i32_1 = arith.constant 0 : i32
    return %c0_i32, %c0_i32_0 : i32, i32
  }
  func.func @transform_2(%arg0: i32) -> (i32, i32) {
    %c0_i32 = arith.constant 0 : i32
    %c0_i32_0 = arith.constant 0 : i32
    return %arg0, %c0_i32 : i32, i32
  }
}

module attributes {stable_mosaic.version = 14 : i64} {
  func.func @_tb_kernel(%arg0: i32, %arg1: memref<64x128xf32, #tpu.memory_space<vmem>>, %arg2: memref<16x16xf32, #tpu.memory_space<vmem>>, %arg3: memref<16x128xf32, #tpu.memory_space<vmem>>, %arg4: memref<16x16xf32, #tpu.memory_space<vmem>>, %arg5: memref<16x128xf32, #tpu.memory_space<vmem>>, %arg6: memref<8192x128xf32, #tpu.memory_space<vmem>>) attributes {dimension_semantics = [#tpu.dimension_semantics<arbitrary>], iteration_bounds = array<i64: 40>, scalar_prefetch = 0 : i64, scratch_operands = 0 : i64, tpu.core_type = #tpu.core_type<tc>, window_params = [{transform_indices = @transform_0, window_bounds = array<i64: 64, 128>}, {pipeline_mode = #tpu.pipeline_mode<synchronous>, transform_indices = @transform_1, window_bounds = array<i64: 16, 16>}, {pipeline_mode = #tpu.pipeline_mode<synchronous>, transform_indices = @transform_2, window_bounds = array<i64: 16, 128>}, {pipeline_mode = #tpu.pipeline_mode<synchronous>, transform_indices = @transform_3, window_bounds = array<i64: 16, 16>}, {pipeline_mode = #tpu.pipeline_mode<synchronous>, transform_indices = @transform_4, window_bounds = array<i64: 16, 128>}, {transform_indices = @transform_5, window_bounds = array<i64: 8192, 128>}]} {
    %get3A = arith.constant 0 : index
    %get3A_0 = arith.constant 0 : index
    %get3A_1 = vector.load %arg1[%get3A, %get3A_0] : memref<64x128xf32, #tpu.memory_space<vmem>>, vector<64x128xf32>
    %reshape3A = vector.shape_cast %get3A_1 : vector<64x128xf32> to vector<1x8192xf32>
    %iota3A = tpu.iota {dimensions = array<i32: 0>} : vector<16x8192xi32>
    %convert_element_type3A = arith.sitofp %iota3A : vector<16x8192xi32> to vector<16x8192xf32>
    %mul3A = arith.constant 0.333333343 : f32
    %mul3A_2 = vector.broadcast %mul3A : f32 to vector<16x8192xf32>
    %mul3A_3 = arith.mulf %convert_element_type3A, %mul3A_2 : vector<16x8192xf32>
    %sub3A = vector.broadcast %reshape3A : vector<1x8192xf32> to vector<16x8192xf32>
    %sub3A_4 = arith.subf %sub3A, %mul3A_3 : vector<16x8192xf32>
    %integer_pow3A = arith.mulf %sub3A_4, %sub3A_4 : vector<16x8192xf32>
    %neg3A = arith.constant 0.000000e+00 : f32
    %neg3A_5 = vector.broadcast %neg3A : f32 to vector<16x8192xf32>
    %neg3A_6 = arith.subf %neg3A_5, %integer_pow3A : vector<16x8192xf32>
    %mul3A_7 = arith.constant 1.024000e+01 : f32
    %mul3A_8 = vector.broadcast %mul3A_7 : f32 to vector<16x8192xf32>
    %mul3A_9 = arith.mulf %neg3A_6, %mul3A_8 : vector<16x8192xf32>
    %exp3A = math.exp %mul3A_9 : vector<16x8192xf32>
    %mul3A_10 = arith.constant 3.14159274 : f32
    %mul3A_11 = vector.broadcast %mul3A_10 : f32 to vector<1x8192xf32>
    %mul3A_12 = arith.mulf %mul3A_11, %reshape3A : vector<1x8192xf32>
    %div3A = arith.constant 5.000000e+00 : f32
    %div3A_13 = vector.broadcast %div3A : f32 to vector<1x8192xf32>
    %div3A_14 = arith.divf %mul3A_12, %div3A_13 : vector<1x8192xf32>
    %cos3A = math.cos %div3A_14 : vector<1x8192xf32>
    %add3A = arith.constant 1.000000e+00 : f32
    %add3A_15 = vector.broadcast %add3A : f32 to vector<1x8192xf32>
    %add3A_16 = arith.addf %add3A_15, %cos3A : vector<1x8192xf32>
    %mul3A_17 = arith.constant 5.000000e-01 : f32
    %mul3A_18 = vector.broadcast %mul3A_17 : f32 to vector<1x8192xf32>
    %mul3A_19 = arith.mulf %mul3A_18, %add3A_16 : vector<1x8192xf32>
    %lt3A = arith.constant 5.000000e+00 : f32
    %lt3A_20 = vector.broadcast %lt3A : f32 to vector<1x8192xf32>
    %lt3A_21 = arith.cmpf olt, %reshape3A, %lt3A_20 : vector<1x8192xf32>
    %convert_element_type3A_22 = arith.extui %lt3A_21 : vector<1x8192xi1> to vector<1x8192xi32>
    %convert_element_type3A_23 = arith.sitofp %convert_element_type3A_22 : vector<1x8192xi32> to vector<1x8192xf32>
    %mul3A_24 = arith.mulf %mul3A_19, %convert_element_type3A_23 : vector<1x8192xf32>
    %mul3A_25 = vector.broadcast %mul3A_24 : vector<1x8192xf32> to vector<16x8192xf32>
    %mul3A_26 = arith.mulf %exp3A, %mul3A_25 : vector<16x8192xf32>
    %get3A_27 = arith.constant 0 : index
    %get3A_28 = arith.constant 0 : index
    %get3A_29 = vector.load %arg2[%get3A_27, %get3A_28] : memref<16x16xf32, #tpu.memory_space<vmem>>, vector<16x16xf32>
    %dot_general3A = arith.constant dense<0.000000e+00> : vector<16x8192xf32>
    %dot_general3A_30 = tpu.matmul %get3A_29, %mul3A_26, %dot_general3A {dimension_numbers = #tpu.dot_dimension_numbers<[0], [0], [1], [1], [0, 1, 1, 1], [], []>, transpose_lhs_hint = false} : vector<16x16xf32>, vector<16x8192xf32>, vector<16x8192xf32> -> vector<16x8192xf32>
    %get3A_31 = arith.constant 0 : index
    %get3A_32 = arith.constant 0 : index
    %get3A_33 = vector.load %arg4[%get3A_31, %get3A_32] : memref<16x16xf32, #tpu.memory_space<vmem>>, vector<16x16xf32>
    %dot_general3A_34 = arith.constant dense<0.000000e+00> : vector<16x8192xf32>
    %dot_general3A_35 = tpu.matmul %get3A_33, %mul3A_26, %dot_general3A_34 {dimension_numbers = #tpu.dot_dimension_numbers<[0], [0], [1], [1], [0, 1, 1, 1], [], []>, transpose_lhs_hint = false} : vector<16x16xf32>, vector<16x8192xf32>, vector<16x8192xf32> -> vector<16x8192xf32>
    %logistic3A = arith.negf %dot_general3A_30 : vector<16x8192xf32>
    %logistic3A_36 = math.exp %logistic3A : vector<16x8192xf32>
    %logistic3A_37 = arith.constant 1.000000e+00 : f32
    %logistic3A_38 = vector.broadcast %logistic3A_37 : f32 to vector<16x8192xf32>
    %logistic3A_39 = arith.addf %logistic3A_38, %logistic3A_36 : vector<16x8192xf32>
    %logistic3A_40 = arith.divf %logistic3A_38, %logistic3A_39 : vector<16x8192xf32>
    %mul3A_41 = arith.mulf %dot_general3A_30, %logistic3A_40 : vector<16x8192xf32>
    %get3A_42 = arith.constant 0 : index
    %get3A_43 = arith.constant 0 : index
    %get3A_44 = vector.load %arg3[%get3A_42, %get3A_43] : memref<16x128xf32, #tpu.memory_space<vmem>>, vector<16x128xf32>
    %dot_general3A_45 = arith.constant dense<0.000000e+00> : vector<8192x128xf32>
    %dot_general3A_46 = tpu.matmul %mul3A_41, %get3A_44, %dot_general3A_45 {dimension_numbers = #tpu.dot_dimension_numbers<[0], [0], [1], [1], [0, 1, 1, 1], [], []>, transpose_lhs_hint = false} : vector<16x8192xf32>, vector<16x128xf32>, vector<8192x128xf32> -> vector<8192x128xf32>
    %logistic3A_47 = arith.negf %dot_general3A_35 : vector<16x8192xf32>
    %logistic3A_48 = math.exp %logistic3A_47 : vector<16x8192xf32>
    %logistic3A_49 = arith.constant 1.000000e+00 : f32
    %logistic3A_50 = vector.broadcast %logistic3A_49 : f32 to vector<16x8192xf32>
    %logistic3A_51 = arith.addf %logistic3A_50, %logistic3A_48 : vector<16x8192xf32>
    %logistic3A_52 = arith.divf %logistic3A_50, %logistic3A_51 : vector<16x8192xf32>
    %mul3A_53 = arith.mulf %dot_general3A_35, %logistic3A_52 : vector<16x8192xf32>
    %get3A_54 = arith.constant 0 : index
    %get3A_55 = arith.constant 0 : index
    %get3A_56 = vector.load %arg5[%get3A_54, %get3A_55] : memref<16x128xf32, #tpu.memory_space<vmem>>, vector<16x128xf32>
    %dot_general3A_57 = arith.constant dense<0.000000e+00> : vector<8192x128xf32>
    %dot_general3A_58 = tpu.matmul %mul3A_53, %get3A_56, %dot_general3A_57 {dimension_numbers = #tpu.dot_dimension_numbers<[0], [0], [1], [1], [0, 1, 1, 1], [], []>, transpose_lhs_hint = false} : vector<16x8192xf32>, vector<16x128xf32>, vector<8192x128xf32> -> vector<8192x128xf32>
    %logistic3A_59 = arith.negf %dot_general3A_58 : vector<8192x128xf32>
    %logistic3A_60 = math.exp %logistic3A_59 : vector<8192x128xf32>
    %logistic3A_61 = arith.constant 1.000000e+00 : f32
    %logistic3A_62 = vector.broadcast %logistic3A_61 : f32 to vector<8192x128xf32>
    %logistic3A_63 = arith.addf %logistic3A_62, %logistic3A_60 : vector<8192x128xf32>
    %logistic3A_64 = arith.divf %logistic3A_62, %logistic3A_63 : vector<8192x128xf32>
    %mul3A_65 = arith.mulf %dot_general3A_46, %logistic3A_64 : vector<8192x128xf32>
    %swap3A = arith.constant 0 : index
    %swap3A_66 = arith.constant 0 : index
    %swap3A_67 = vector.load %arg6[%swap3A, %swap3A_66] : memref<8192x128xf32, #tpu.memory_space<vmem>>, vector<8192x128xf32>
    tpu.vector_store %arg6[%swap3A, %swap3A_66], %mul3A_65 {strides = array<i32>} : memref<8192x128xf32, #tpu.memory_space<vmem>>, vector<8192x128xf32>,
    return
  }
  func.func @transform_0(%arg0: i32) -> (i32, i32) {
    %c0_i32 = arith.constant 0 : i32
    %c0_i32_0 = arith.constant 0 : i32
    return %arg0, %c0_i32 : i32, i32
  }
  func.func @transform_1(%arg0: i32) -> (i32, i32) {
    %c0_i32 = arith.constant 0 : i32
    %c0_i32_0 = arith.constant 0 : i32
    %c0_i32_1 = arith.constant 0 : i32
    return %c0_i32, %c0_i32_0 : i32, i32
  }
  func.func @transform_2(%arg0: i32) -> (i32, i32) {
    %c0_i32 = arith.constant 0 : i32
    %c0_i32_0 = arith.constant 0 : i32
    %c0_i32_1 = arith.constant 0 : i32
    return %c0_i32, %c0_i32_0 : i32, i32
  }
  func.func @transform_3(%arg0: i32) -> (i32, i32) {
    %c0_i32 = arith.constant 0 : i32
    %c0_i32_0 = arith.constant 0 : i32
    %c0_i32_1 = arith.constant 0 : i32
    return %c0_i32, %c0_i32_0 : i32, i32
  }
  func.func @transform_4(%arg0: i32) -> (i32, i32) {
    %c0_i32 = arith.constant 0 : i32
    %c0_i32_0 = arith.constant 0 : i32
    %c0_i32_1 = arith.constant 0 : i32
    return %c0_i32, %c0_i32_0 : i32, i32
  }
  func.func @transform_5(%arg0: i32) -> (i32, i32) {
    %c0_i32 = arith.constant 0 : i32
    %c0_i32_0 = arith.constant 0 : i32
    return %arg0, %c0_i32 : i32, i32
  }
}

module attributes {stable_mosaic.version = 14 : i64} {
  func.func @_em_kernel(%arg0: i32, %arg1: memref<2000x128xf32, #tpu.memory_space<vmem>>, %arg2: memref<2x2000x128xf32, #tpu.memory_space<vmem>>, %arg3: memref<2000x128xf32, #tpu.memory_space<vmem>>) attributes {dimension_semantics = [#tpu.dimension_semantics<arbitrary>], iteration_bounds = array<i64: 5>, scalar_prefetch = 0 : i64, scratch_operands = 0 : i64, tpu.core_type = #tpu.core_type<tc>, window_params = [{transform_indices = @transform_0, window_bounds = array<i64: 2000, 128>}, {transform_indices = @transform_1, window_bounds = array<i64: 2, 2000, 128>}, {transform_indices = @transform_2, window_bounds = array<i64: 2000, 128>}]} {
    %get3A = arith.constant 0 : index
    %get3A_0 = arith.constant 0 : index
    %get3A_1 = vector.load %arg1[%get3A, %get3A_0] : memref<2000x128xf32, #tpu.memory_space<vmem>>, vector<2000x128xf32>
    %get3A_2 = arith.constant 0 : index
    %get3A_3 = arith.constant 0 : index
    %get3A_4 = arith.constant 0 : index
    %get3A_5 = vector.load %arg2[%get3A_2, %get3A_3, %get3A_4] : memref<2x2000x128xf32, #tpu.memory_space<vmem>>, vector<1x2000x128xf32>
    %get3A_6 = vector.shape_cast %get3A_5 : vector<1x2000x128xf32> to vector<2000x128xf32>
    %get3A_7 = arith.constant 1 : index
    %get3A_8 = arith.constant 0 : index
    %get3A_9 = arith.constant 0 : index
    %get3A_10 = vector.load %arg2[%get3A_7, %get3A_8, %get3A_9] : memref<2x2000x128xf32, #tpu.memory_space<vmem>>, vector<1x2000x128xf32>
    %get3A_11 = vector.shape_cast %get3A_10 : vector<1x2000x128xf32> to vector<2000x128xf32>
    %add3A = arith.addf %get3A_6, %get3A_11 : vector<2000x128xf32>
    %mul3A = arith.mulf %get3A_1, %add3A : vector<2000x128xf32>
    %swap3A = arith.constant 0 : index
    %swap3A_12 = arith.constant 0 : index
    %swap3A_13 = vector.load %arg3[%swap3A, %swap3A_12] : memref<2000x128xf32, #tpu.memory_space<vmem>>, vector<2000x128xf32>
    tpu.vector_store %arg3[%swap3A, %swap3A_12], %mul3A {strides = array<i32>} : memref<2000x128xf32, #tpu.memory_space<vmem>>, vector<2000x128xf32>,
    return
  }
  func.func @transform_0(%arg0: i32) -> (i32, i32) {
    %c0_i32 = arith.constant 0 : i32
    %c0_i32_0 = arith.constant 0 : i32
    return %arg0, %c0_i32 : i32, i32
  }
  func.func @transform_1(%arg0: i32) -> (i32, i32, i32) {
    %c0_i32 = arith.constant 0 : i32
    %c0_i32_0 = arith.constant 0 : i32
    %c0_i32_1 = arith.constant 0 : i32
    return %c0_i32, %arg0, %c0_i32_0 : i32, i32, i32
  }
  func.func @transform_2(%arg0: i32) -> (i32, i32) {
    %c0_i32 = arith.constant 0 : i32
    %c0_i32_0 = arith.constant 0 : i32
    return %arg0, %c0_i32 : i32, i32
  }
}

module attributes {stable_mosaic.version = 14 : i64} {
  func.func @_post_kernel(%arg0: i32, %arg1: memref<2x2000x128xf32, #tpu.memory_space<vmem>>, %arg2: memref<128x128xf32, #tpu.memory_space<vmem>>, %arg3: memref<2000x128xf32, #tpu.memory_space<vmem>>) attributes {dimension_semantics = [#tpu.dimension_semantics<arbitrary>], iteration_bounds = array<i64: 5>, scalar_prefetch = 0 : i64, scratch_operands = 0 : i64, tpu.core_type = #tpu.core_type<tc>, window_params = [{transform_indices = @transform_0, window_bounds = array<i64: 2, 2000, 128>}, {pipeline_mode = #tpu.pipeline_mode<synchronous>, transform_indices = @transform_1, window_bounds = array<i64: 128, 128>}, {transform_indices = @transform_2, window_bounds = array<i64: 2000, 128>}]} {
    %get3A = arith.constant 0 : index
    %get3A_0 = arith.constant 0 : index
    %get3A_1 = arith.constant 0 : index
    %get3A_2 = vector.load %arg1[%get3A, %get3A_0, %get3A_1] : memref<2x2000x128xf32, #tpu.memory_space<vmem>>, vector<1x2000x128xf32>
    %get3A_3 = vector.shape_cast %get3A_2 : vector<1x2000x128xf32> to vector<2000x128xf32>
    %get3A_4 = arith.constant 1 : index
    %get3A_5 = arith.constant 0 : index
    %get3A_6 = arith.constant 0 : index
    %get3A_7 = vector.load %arg1[%get3A_4, %get3A_5, %get3A_6] : memref<2x2000x128xf32, #tpu.memory_space<vmem>>, vector<1x2000x128xf32>
    %get3A_8 = vector.shape_cast %get3A_7 : vector<1x2000x128xf32> to vector<2000x128xf32>
    %add3A = arith.addf %get3A_3, %get3A_8 : vector<2000x128xf32>
    %get3A_9 = arith.constant 0 : index
    %get3A_10 = arith.constant 0 : index
    %get3A_11 = vector.load %arg2[%get3A_9, %get3A_10] : memref<128x128xf32, #tpu.memory_space<vmem>>, vector<128x128xf32>
    %dot_general3A = arith.constant dense<0.000000e+00> : vector<2000x128xf32>
    %dot_general3A_12 = tpu.matmul %add3A, %get3A_11, %dot_general3A {dimension_numbers = #tpu.dot_dimension_numbers<[1], [0], [0], [1], [0, 0, 1, 1], [], []>, transpose_lhs_hint = false} : vector<2000x128xf32>, vector<128x128xf32>, vector<2000x128xf32> -> vector<2000x128xf32>
    %swap3A = arith.constant 0 : index
    %swap3A_13 = arith.constant 0 : index
    %swap3A_14 = vector.load %arg3[%swap3A, %swap3A_13] : memref<2000x128xf32, #tpu.memory_space<vmem>>, vector<2000x128xf32>
    tpu.vector_store %arg3[%swap3A, %swap3A_13], %dot_general3A_12 {strides = array<i32>} : memref<2000x128xf32, #tpu.memory_space<vmem>>, vector<2000x128xf32>,
    return
  }
  func.func @transform_0(%arg0: i32) -> (i32, i32, i32) {
    %c0_i32 = arith.constant 0 : i32
    %c0_i32_0 = arith.constant 0 : i32
    %c0_i32_1 = arith.constant 0 : i32
    return %c0_i32, %arg0, %c0_i32_0 : i32, i32, i32
  }
  func.func @transform_1(%arg0: i32) -> (i32, i32) {
    %c0_i32 = arith.constant 0 : i32
    %c0_i32_0 = arith.constant 0 : i32
    %c0_i32_1 = arith.constant 0 : i32
    return %c0_i32, %c0_i32_0 : i32, i32
  }
  func.func @transform_2(%arg0: i32) -> (i32, i32) {
    %c0_i32 = arith.constant 0 : i32
    %c0_i32_0 = arith.constant 0 : i32
    return %arg0, %c0_i32 : i32, i32
  }
}

</mosaic_0001>

<sc_bundles>
// kernel: kernel.12.cloned.1.call-start
scs
__scs_entry_jumppad:
0x0: {  	(pc) =	sbr.rel $0x88, $3  }
0x1: {  	(tag) =	ssettag $0x0;
	lr =	simm.s32 $0x1  }
0x2: {  	[smem:$0x3F90] =	sst lr;
	_ =	strace $0xD0000000  }
0x3: {  	_ = 	snop  }
0x4: {  	_ = 	snop  }
0x5: {  	_ = 	snop  }
0x6: {  	_ = 	snop  }
0x7: {  	_ = 	snop  }
__scs_overlays_trampoline_lowered:
0x8: {  	[smem:$0x3F9F] =	sst s0  }
0x9: {  	[smem:$0x3FA0] =	sst s1  }
0xa: {  	[smem:$0x3FA1] =	sst s2  }
0xb: {  	[smem:$0x3FA2] =	sst s3  }
0xc: {  	[smem:$0x3FA3] =	sst s4  }
0xd: {  	[smem:$0x3FA4] =	sst s5  }
0xe: {  	[smem:$0x3FA5] =	sst s6  }
0xf: {  	[smem:$0x3FA6] =	sst s7  }
0x10: {  	[smem:$0x3FA7] =	sst s8  }
0x11: {  	[smem:$0x3FA8] =	sst s9;
	s0 =	simm.s32 @!p0 $0x0  }
0x12: {  	s1 =	sld [smem:$0x3F8E];
	s0 =	simm.s32 @p0 $0x1  }
0x13: {  	[smem:$0x3FA9] =	sst s0;
	s0 =	simm.s32 @!p1 $0x0  }
0x14: {  	s2 =	sld [smem:$0x3F8D];
	s0 =	simm.s32 @p1 $0x1  }
0x15: {  	[smem:$0x3FAA] =	sst s0;
	s0 =	simm.s32 @!p2 $0x0  }
0x16: {  	s3 =	sld [smem:$0x3FDB];
	s0 =	simm.s32 @p2 $0x1  }
0x17: {  	s4 =	simm.s32 $0x1BF5;
	[smem:$0x3FAC] =	sst s0  }
0x18: {  	s0 =	sld [smem:$0x3F8F];
	_ =	swait.ge [sflag:s4], $0x0  }
0x19: {  	s7 =	sld [smem:$0x3F90]  }
0x1a: {  	s8 =	sadd.s32 $0xFFFFE003, lr  }
0x1b: {  	s9 =	sadd.s32 $0xFFFFFEF7, lr;
	s5 =	simm.s32 $0xFFFFFFFF;
	p2 =	slt.u32 s8, $0xFFFFF086  }
0x1c: {  	p1 =	slt.u32 s9, $0xF7A;
	s5 =	simm.s32 @!p2 $0x0  }
0x1d: {  	s5 =	simm.s32 @p1 $0x1;
	p0 =	seq.s32 s7, s2  }
0x1e: {  	s7 =	smul.u32 @!p0 $0xF7A, s2;
	p2 =	seq.s32 @!p0 s5, $0x0  }
0x1f: {  	s9 =	smul.u32 $0xF7A, s1;
	s8 =	simm.s32 @!p0 $0x1BF5;
	p2 =	por !p2, p0  }
0x20: {  	[sflag:s8] =	ssyncset.s32 @!p0 $0xFFFFF086;
	s6 =	sadd.s32 @!p0 s3, s7;
	s7 =	simm.s32 @!p0 $0x108  }
0x21: {  	s3 =	sadd.s32 s3, s9;
	s6 =	sadd.s32 @!p0 $0x88, s6;
	s7 =	simm.s32 @p2 $0x1082  }
0x22: {  	[simem:s7], [sflag:s8] =	dma.local @!p0 [hbm:s6], $0xF7A  }
0x23: {  	s9 =	sor.u32 $0xD0000000, s2;
	s6 =	simm.s32 $0x108;
	_ =	swait.ge @!p0 [sflag:s8], $0x0  }
0x24: {  	s3 =	sadd.s32 $0x88, s3;
	s6 =	simm.s32 @!p1 $0x1082;
	[sflag:s4] =	ssyncset.s32 $0xFFFFF086  }
0x25: {  	[simem:s6], [sflag:s4] =	dma.local [hbm:s3], $0xF7A  }
0x26: {  	[smem:$0x3F90] =	sst s1;
	(tag) =	ssettag s2;
	_ =	strace s9  }
0x27: {  	s1 =	sld [smem:$0x3FA0]  }
0x28: {  	s2 =	sld [smem:$0x3FA1]  }
0x29: {  	s4 =	sld [smem:$0x3FA3]  }
0x2a: {  	p0 =	seq.s32 s5, $0x0;
	s5 =	sld [smem:$0x3FA4]  }
0x2b: {  	s6 =	sld [smem:$0x3FA5]  }
0x2c: {  	s7 =	sld [smem:$0x3FA6]  }
0x2d: {  	s3 =	simm.s32 $0x108;
	s8 =	sld [smem:$0x3FA7]  }
0x2e: {  	s3 =	simm.s32 @!p0 $0x1082;
	s9 =	sld [smem:$0x3FA8]  }
0x2f: {  	lr =	sadd.s32 s0, s3;
	s0 =	sld [smem:$0x3F9F]  }
0x30: {  	s3 =	sld [smem:$0x3FA2]  }
0x31: {  	[smem:$0x3FAB] =	sst s10  }
0x32: {  	s10 =	sld [smem:$0x3FA9];
	_ =	sdelay $0x3  }
0x33: {  	p0 =	seq.s32 s10, $0x1;
	s10 =	sld [smem:$0x3FAB];
	_ =	sdelay $0x3  }
0x34: {  	[smem:$0x3FAB] =	sst s10  }
0x35: {  	s10 =	sld [smem:$0x3FAA];
	_ =	sdelay $0x3  }
0x36: {  	p1 =	seq.s32 s10, $0x1;
	s10 =	sld [smem:$0x3FAB];
	_ =	sdelay $0x3  }
0x37: {  	[smem:$0x3FAB] =	sst s10  }
0x38: {  	s10 =	sld [smem:$0x3FAC]  }
0x39: {  	_ = 	snop;
	(pc) =	sbr.ind lr, $3  }
0x3a: {  	_ = 	snop  }
0x3b: {  	_ = 	snop  }
0x3c: {  	p2 =	seq.s32 s10, $0x1;
	s10 =	sld [smem:$0x3FAB]  }
0x3d: {  	_ =	shalt  }
0x3e: {  	_ =	shalt  }
0x3f: {  	_ =	shalt  }
0x40: {  	_ =	shalt  }
0x41: {  	_ =	shalt  }
0x42: {  	_ =	shalt  }
0x43: {  	_ =	shalt  }
0x44: {  	_ =	shalt  }
0x45: {  	_ =	shalt  }
0x46: {  	_ =	shalt  }
0x47: {  	_ =	shalt  }
0x48: {  	_ =	shalt  }
0x49: {  	_ =	shalt  }
0x4a: {  	_ =	shalt  }
0x4b: {  	_ =	shalt  }
0x4c: {  	_ =	shalt  }
0x4d: {  	_ =	shalt  }
0x4e: {  	_ =	shalt  }
0x4f: {  	_ =	shalt  }
0x50: {  	_ =	shalt  }
0x51: {  	_ =	shalt  }
0x52: {  	_ =	shalt  }
0x53: {  	_ =	shalt  }
0x54: {  	_ =	shalt  }
0x55: {  	_ =	shalt  }
0x56: {  	_ =	shalt  }
0x57: {  	_ =	shalt  }
0x58: {  	_ =	shalt  }
0x59: {  	_ =	shalt  }
0x5a: {  	_ =	shalt  }
0x5b: {  	_ =	shalt  }
0x5c: {  	_ =	shalt  }
0x5d: {  	_ =	shalt  }
0x5e: {  	_ =	shalt  }
0x5f: {  	_ =	shalt  }
0x60: {  	_ =	shalt  }
0x61: {  	_ =	shalt  }
0x62: {  	_ =	shalt  }
0x63: {  	_ =	shalt  }
0x64: {  	_ =	shalt  }
0x65: {  	_ =	shalt  }
0x66: {  	_ =	shalt  }
0x67: {  	_ =	shalt  }
0x68: {  	_ =	shalt  }
0x69: {  	_ =	shalt  }
0x6a: {  	_ =	shalt  }
0x6b: {  	_ =	shalt  }
0x6c: {  	_ =	shalt  }
0x6d: {  	_ =	shalt  }
0x6e: {  	_ =	shalt  }
0x6f: {  	_ =	shalt  }
0x70: {  	_ =	shalt  }
0x71: {  	_ =	shalt  }
0x72: {  	_ =	shalt  }
0x73: {  	_ =	shalt  }
0x74: {  	_ =	shalt  }
0x75: {  	_ =	shalt  }
0x76: {  	_ =	shalt  }
0x77: {  	_ =	shalt  }
0x78: {  	_ =	shalt  }
0x79: {  	_ =	shalt  }
0x7a: {  	_ =	shalt  }
0x7b: {  	_ =	shalt  }
0x7c: {  	_ =	shalt  }
0x7d: {  	_ =	shalt  }
0x7e: {  	_ =	shalt  }
0x7f: {  	_ =	shalt  }
0x80: {  	_ =	shalt  }
0x81: {  	_ =	shalt  }
0x82: {  	_ =	shalt  }
0x83: {  	_ =	shalt  }
0x84: {  	_ =	shalt  }
0x85: {  	_ =	shalt  }
0x86: {  	_ =	shalt  }
0x87: {  	_ =	shalt  }
.Lfunc_end0:
.L_simem_size_0:
called_computation.1_lowered:
.L_overlay_start_0:
0x88: {  	s2 =	sld [smem:$0x3FD9]  }
0x89: {  	s3 =	sld [smem:$0x3FFE];
	_ =	sdelay $0x1  }
0x8a: {  	s1 =	srdreg.scid  }
0x8b: {  	s0 =	sand.u32 $0x1, s1  }
0x8c: {  	s17 =	sshll.u32 s0, $0xA;
	s2 =	sadd.s32 s3, s2  }
0x8d: {  	s2 =	sadd.s32 s2, s17  }
0x8e: {  	[smem:$0x3FB7] =	sst s2  }
0x8f: {  	_ = 	snop  }
0x90: {  	s2 =	sld [smem:$0x3FD0];
	(tm) =	ssettm $0x1  }
0x91: {  	s18 =	sld [smem:$0x3FFB];
	_ =	sdelay $0x3  }
0x92: {  	_ =	strace s18  }
0x93: {  	s3 =	sld [smem:$0x3FFC];
	_ =	sdelay $0x3  }
0x94: {  	_ =	strace s3  }
0x95: {  	s3 =	sld [smem:$0x3FFD];
	_ =	sdelay $0x3  }
0x96: {  	_ =	strace s3  }
0x97: {  	_ =	strace $0x8FFFFFFF  }
0x98: {  	s19 =	sld [smem:$0x3FDB];
	_ =	sdelay $0x1  }
0x99: {  	s4 =	simm.s32 $_scs_section_size  }
0x9a: {  	s5 =	simm.s32 $_size__tile_overlayer_lowered;
	s6 =	simm.s32 $_tile_overlayer_lowered  }
0x9b: {  	s22 =	simm.s32 $0x1BFF;
	s21 =	sshll.u32 s6, $0x1;
	s3 =	sadd.s32 s4, s19  }
0x9c: {  	s7 =	simm.s32 $0x0;
	s20 =	sshll.u32 s5, $0x1;
	s5 =	sadd.s32 s21, s3  }
0x9d: {  	[timem:s7], [sflag:s22] =	dma.local [hbm:s5], s20  }
0x9e: {  	_ =	swait.ge [sflag:s22], s20  }
0x9f: {  	s4 =	ssub.s32 $0x0, s20;
	[sflag:s22] =	ssyncset.done $0x0  }
0xa0: {  	[sflag:s22] =	ssyncadd.s32 s4;
	_ =	sdelay $0x1  }
0xa1: {  	s23 =	simm.s32 $0x1B8B  }
0xa2: {  	_ =	swait.ge [sflag:s23], $0x1  }
0xa3: {  	[sflag:s23] =	ssyncset.done $0x0  }
0xa4: {  	s25 =	simm.s32 $0x1B8E;
	s24 =	sld [smem:$0x3FFE];
	[sflag:s23] =	ssyncadd.s32 $0xFFFFFFFF  }
0xa5: {  	s26 =	simm.s32 $execute0_lowered;
	[smem:$0x3FD2] =	sst s25  }
0xa6: {  	s5 =	sshll.u32 s26, $0x1;
	_ =	strace $0x80000049;
	[dreg:$0x1] =	wrdreg $0xFFFFFFFF  }
0xa7: {  	s28 =	simm.s32 $_size_execute0_lowered;
	s3 =	sadd.s32 s3, s5;
	[dreg:$0x0] =	wrdreg $0x0  }
0xa8: {  	s5 =	sshll.u32 s28, $0x1;
	[dreg:$0x2] =	wrdreg s3  }
0xa9: {  	[dreg:$0x3] =	wrdreg s5  }
0xaa: {  	[dreg:$0x4] =	wrdreg $0xC0  }
0xab: {  	_ =	task [dreg:s7], $0x5FFFF  }
0xac: {  	[dreg:$0x1] =	wrdreg $0xFFFFFFFF  }
0xad: {  	[dreg:$0x0] =	wrdreg $0x60  }
0xae: {  	[dreg:$0x2] =	wrdreg s24  }
0xaf: {  	[dreg:$0x3] =	wrdreg s2  }
0xb0: {  	[dreg:$0x4] =	wrdreg $0x90000  }
0xb1: {  	[dreg:$0x5] =	wrdreg $0x9  }
0xb2: {  	_ =	task.clear_ibuf [dreg:s7], $0x6FFFF;
	_ =	strace $0x90000049  }
0xb3: {  	s29 =	simm.s32 $0x9;
	_ =	strace $0x8000004B  }
0xb4: {  	_ =	swait.ge [sflag:s29], $0x1  }
0xb5: {  	[sflag:s29] =	ssyncadd.s32 $0xFFFFFFFF  }
0xb6: {  	_ =	strace $0x9000004B  }
0xb7: {  	_ =	sfence  }
0xb8: {  	s30 =	sld [smem:$0x0];
	_ =	sdelay $0x2  }
0xb9: {  	s31 =	sshll.u32 s1, $0xD;
	s1 =	sshrl.u32 s1, $0x2  }
0xba: {  	s3 =	sand.u32 $0x4000, s31;
	s1 =	sadd.s32 s1, s30  }
0xbb: {  	s0 =	sor.u32 s3, s0;
	s1 =	sshll.u32 s1, $0x11  }
0xbc: {  	s0 =	sor.u32 s1, s0  }
0xbd: {  	s0 =	sadd.s32 $0x8F2B, s0  }
0xbe: {  	[sflag:s0] =	ssyncadd.remote.s32 $0x1  }
0xbf: {  	_ =	sfence.sel $0xFFFF  }
0xc0: {  	[dreg:$0x0] =	wrdreg $0xFFFFFFFF;
	(pc) =	sbr.abs _section_cstart, $3  }
0xc1: {  	[dreg:$0x1] =	wrdreg $0xFFFFFFFF  }
0xc2: {  	_ =	task.clear_ibuf [dreg:s7], $0x2FFFF;
	_ =	strace $0x9FFFFFFF  }
0xc3: {  	(tm) =	ssettm $0x7FFFFFFF  }
tec
execute0_lowered:
.L_overlay_start_1:
0x0: {  	(tag) =	ssettag $0x1  }
0x1: {  	s0 =	rddreg [dreg:$0x0]  }
0x2: {  	s1 =	rddreg [dreg:$0x1]  }
0x3: {  	s2 =	rddreg [dreg:$0x2];
	s3 =	simm.s32 $0x0  }
0x4: {  	s23 =	stileid.u32;
	s4 =	srdreg.scid;
	s5 =	sadd.s32 $0x8AFA00, s0  }
0x5: {  	[smem:$0x7FF] =	sst s3;
	s6 =	sadd.s32 $0x887400, s0;
	s11 =	smul.u32 $0x2700, s23  }
0x6: {  	s4 =	sand.u32 $0x1, s4;
	s7 =	sshll.u32 s23, $0x1;
	s8 =	sadd.s32 $0x839200, s0  }
0x7: {  	s10 =	sadd.s32 $0x8AF400, s0;
	s13 =	smul.u32 $0x4E000, s23;
	s26 =	sshll.u32 s23, $0x6  }
0x8: {  	p0 =	sne.s32 s23, $0xF;
	s9 =	smul.u32 $0x27100, s4;
	s7 =	sor.u32 s4, s7  }
0x9: {  	s23 =	simm.s32 $0x0;
	_ =	strace $0x8000004A;
	s12 =	smul.u32 $0x5, s7  }
0xa: {  	s4 =	ssub.s32 $0x2, s4;
	[dreg:$0x4] =	wrdreg s11;
	s15 =	smul.u32 $0x28, s7  }
0xb: {  	s11 =	sadd.s32 s11, s0;
	s14 =	sshrl.u32 s4, $0x1;
	s29 =	smul.u32 $0x1400, s7  }
0xc: {  	s13 =	sshrl.u32 s13, $0x2;
	s21 =	smul.u32 $0x5000, s7;
	s9 =	sadd.s32 s9, s0  }
0xd: {  	s4 =	ssub.s32 s4, s14;
	s13 =	sadd.s32 s13, s2;
	s11 =	sadd.s32 $0x812000, s11  }
0xe: {  	s16 =	sadd.s32 $0x1, s12;
	s15 =	sadd.s32 s10, s15;
	s31 =	sadd.s32 $0x2, s12  }
0xf: {  	s17 =	sadd.s32 $0x3, s12;
	s12 =	sadd.s32 $0x4, s12;
	[dreg:$0xa] =	wrdreg s13  }
0x10: {  	[dreg:$0x10] =	wrdreg s11;
	s4 =	smax.u32 s4, $0x1;
	s11 =	simm.s32 $0x7000  }
0x11: {  	s28 =	sshll.u32 s16, $0x3;
	[dreg:$0x5] =	wrdreg s15;
	s18 =	sshll.u32 s31, $0x3  }
0x12: {  	s19 =	sshll.u32 s17, $0x3;
	s20 =	sshll.u32 s12, $0x3;
	s22 =	sshll.u32 s16, $0xA  }
0x13: {  	s15 =	sadd.s32 s8, s29;
	s24 =	sshll.u32 s31, $0xA;
	s25 =	sshll.u32 s17, $0xA  }
0x14: {  	s12 =	sshll.u32 s12, $0xA;
	s29 =	sadd.s32 $0x2000, s9;
	[dreg:$0x14] =	wrdreg s4  }
0x15: {  	s31 =	sadd.s32 $0x138000, s2;
	s4 =	simm.s32 $0x800;
	[dreg:$0xb] =	wrdreg s15  }
0x16: {  	s9 =	simm.s32 $0x1000;
	s16 =	simm.s32 $0x4;
	[dreg:$0x13] =	wrdreg s29  }
0x17: {  	s17 =	simm.s32 $0x5;
	s14 =	sadd.s32 s10, s28;
	[dreg:$0x15] =	wrdreg s31  }
0x18: {  	s18 =	sadd.s32 s10, s18;
	s19 =	sadd.s32 s10, s19;
	[dreg:$0x6] =	wrdreg s14  }
0x19: {  	s10 =	sadd.s32 s10, s20;
	s20 =	smul.u32 $0x2800, s7;
	[dreg:$0x7] =	wrdreg s18  }
0x1a: {  	s13 =	sadd.s32 s8, s22;
	s22 =	sadd.s32 $0x89B400, s0;
	[dreg:$0x8] =	wrdreg s19  }
0x1b: {  	s0 =	sadd.s32 $0x839000, s0;
	s28 =	smul.u32 $0x28000, s7;
	[dreg:$0x9] =	wrdreg s10  }
0x1c: {  	s15 =	simm.s32 $0x2;
	[dreg:$0xc] =	wrdreg s13;
	s13 =	sadd.s32 s8, s24  }
0x1d: {  	s19 =	sor.u32 $0x1C07, s26;
	[dreg:$0x12] =	wrdreg s0;
	s24 =	smul.u32 $0x140000, s7  }
0x1e: {  	s7 =	simm.s32 $0x40;
	s14 =	simm.s32 $0x3;
	s18 =	simm.s32 $0x6  }
.Ltmp0:
0x1f: {  	[dreg:$0xd] =	wrdreg s13;
	s13 =	sadd.s32 s8, s25;
	(pc) =	sbr.rel .LBB2_1-.Ltmp0, $4  }
0x20: {  	s8 =	sadd.s32 s8, s12;
	s25 =	sor.u32 $0x80, s20;
	[dreg:$0x11] =	wrdreg s19  }
0x21: {  	s26 =	sor.u32 $0xC0, s20;
	s0 =	sadd.s32 s28, s5;
	[dreg:$0xe] =	wrdreg s13  }
0x22: {  	s12 =	simm.s32 $0x3000;
	[dreg:$0xf] =	wrdreg s8;
	s30 =	sadd.s32 $0x400, s0  }
0x23: {  	s0 =	simm.s32 $0x7;
	s8 =	simm.s32 $0x5000;
	s13 =	simm.s32 $0x1  }
.LBB2_10:
0x24: {  	s10 =	rddreg [dreg:$0x5]  }
0x25: {  	[tilespmem:s3], [sflag:$0x7] =	stream.linear.gather [hbm4b:s10+s3], $0x40, $0x38;
	[tilespmem:$0x1C880] =	vst v63  }
0x26: {  	_ =	swait.ge [sflag:s0], $0x40  }
0x27: {  	[sflag:s0] =	ssyncset.done $0x0  }
0x28: {  	s19 =	rddreg [dreg:$0xb];
	[sflag:s0] =	ssyncadd.s32 $0xFFFFFFC0  }
0x29: {  	[tilespmem:s9], [sflag:$0x7] =	stream.linear.gather [hbm4b:s19+s3], $0x2000, $0x38;
	[tilespmem:$0x1C880] =	vst v63  }
0x2a: {  	_ =	swait.ge [sflag:s0], $0x2000  }
0x2b: {  	[sflag:s0] =	ssyncset.done $0x0  }
0x2c: {  	[sflag:s0] =	ssyncadd.s32 $0xFFFFE000  }
0x2d: {  	[spmem:s2] =	stream.indirect.scatter.add.f32 [tilespmem:s9], [sflag:$0x7], $0x80, s3, s7, $0xb8;
	[tilespmem:$0x1C880] =	vst v63  }
0x2e: {  	_ =	swait.ge [sflag:s0], $0x2000  }
0x2f: {  	[sflag:s0] =	ssyncset.done $0x0  }
0x30: {  	s20 =	rddreg [dreg:$0x6];
	[sflag:s0] =	ssyncadd.s32 $0xFFFFE000  }
0x31: {  	[tilespmem:s3], [sflag:$0x7] =	stream.linear.gather [hbm4b:s20+s3], $0x40, $0x38;
	[tilespmem:$0x1C880] =	vst v63  }
0x32: {  	_ =	swait.ge [sflag:s0], $0x40  }
0x33: {  	[sflag:s0] =	ssyncset.done $0x0  }
0x34: {  	s23 =	rddreg [dreg:$0xc];
	[sflag:s0] =	ssyncadd.s32 $0xFFFFFFC0  }
0x35: {  	[tilespmem:s9], [sflag:$0x7] =	stream.linear.gather [hbm4b:s23+s3], $0x2000, $0x38;
	[tilespmem:$0x1C880] =	vst v63  }
0x36: {  	_ =	swait.ge [sflag:s0], $0x2000  }
0x37: {  	[sflag:s0] =	ssyncset.done $0x0  }
0x38: {  	[sflag:s0] =	ssyncadd.s32 $0xFFFFE000  }
0x39: {  	[spmem:s2] =	stream.indirect.scatter.add.f32 [tilespmem:s9], [sflag:$0x7], $0x80, s3, s7, $0xb8;
	[tilespmem:$0x1C880] =	vst v63  }
0x3a: {  	_ =	swait.ge [sflag:s0], $0x2000  }
0x3b: {  	[sflag:s0] =	ssyncset.done $0x0  }
0x3c: {  	s28 =	rddreg [dreg:$0x7];
	[sflag:s0] =	ssyncadd.s32 $0xFFFFE000  }
0x3d: {  	[tilespmem:s3], [sflag:$0x7] =	stream.linear.gather [hbm4b:s28+s3], $0x40, $0x38;
	[tilespmem:$0x1C880] =	vst v63  }
0x3e: {  	_ =	swait.ge [sflag:s0], $0x40  }
0x3f: {  	[sflag:s0] =	ssyncset.done $0x0  }
0x40: {  	s29 =	rddreg [dreg:$0xd];
	[sflag:s0] =	ssyncadd.s32 $0xFFFFFFC0  }
0x41: {  	[tilespmem:s9], [sflag:$0x7] =	stream.linear.gather [hbm4b:s29+s3], $0x2000, $0x38;
	[tilespmem:$0x1C880] =	vst v63  }
0x42: {  	_ =	swait.ge [sflag:s0], $0x2000  }
0x43: {  	[sflag:s0] =	ssyncset.done $0x0  }
0x44: {  	[sflag:s0] =	ssyncadd.s32 $0xFFFFE000  }
0x45: {  	[spmem:s2] =	stream.indirect.scatter.add.f32 [tilespmem:s9], [sflag:$0x7], $0x80, s3, s7, $0xb8;
	[tilespmem:$0x1C880] =	vst v63  }
0x46: {  	_ =	swait.ge [sflag:s0], $0x2000  }
0x47: {  	[sflag:s0] =	ssyncset.done $0x0  }
0x48: {  	s31 =	rddreg [dreg:$0x8];
	[sflag:s0] =	ssyncadd.s32 $0xFFFFE000  }
0x49: {  	[tilespmem:s3], [sflag:$0x7] =	stream.linear.gather [hbm4b:s31+s3], $0x40, $0x38;
	[tilespmem:$0x1C880] =	vst v63  }
0x4a: {  	_ =	swait.ge [sflag:s0], $0x40  }
0x4b: {  	[sflag:s0] =	ssyncset.done $0x0  }
0x4c: {  	s19 =	rddreg [dreg:$0xe];
	[sflag:s0] =	ssyncadd.s32 $0xFFFFFFC0  }
0x4d: {  	[tilespmem:s9], [sflag:$0x7] =	stream.linear.gather [hbm4b:s19+s3], $0x2000, $0x38;
	[tilespmem:$0x1C880] =	vst v63  }
0x4e: {  	_ =	swait.ge [sflag:s0], $0x2000  }
0x4f: {  	[sflag:s0] =	ssyncset.done $0x0  }
0x50: {  	[sflag:s0] =	ssyncadd.s32 $0xFFFFE000  }
0x51: {  	[spmem:s2] =	stream.indirect.scatter.add.f32 [tilespmem:s9], [sflag:$0x7], $0x80, s3, s7, $0xb8;
	[tilespmem:$0x1C880] =	vst v63  }
0x52: {  	_ =	swait.ge [sflag:s0], $0x2000  }
0x53: {  	[sflag:s0] =	ssyncset.done $0x0  }
0x54: {  	s20 =	rddreg [dreg:$0x9];
	[sflag:s0] =	ssyncadd.s32 $0xFFFFE000  }
0x55: {  	[tilespmem:s3], [sflag:$0x7] =	stream.linear.gather [hbm4b:s20+s3], $0x40, $0x38;
	[tilespmem:$0x1C880] =	vst v63  }
0x56: {  	_ =	swait.ge [sflag:s0], $0x40  }
0x57: {  	[sflag:s0] =	ssyncset.done $0x0  }
0x58: {  	s23 =	rddreg [dreg:$0xf];
	[sflag:s0] =	ssyncadd.s32 $0xFFFFFFC0  }
0x59: {  	[tilespmem:s9], [sflag:$0x7] =	stream.linear.gather [hbm4b:s23+s3], $0x2000, $0x38;
	[tilespmem:$0x1C880] =	vst v63  }
0x5a: {  	_ =	swait.ge [sflag:s0], $0x2000  }
0x5b: {  	[sflag:s0] =	ssyncset.done $0x0  }
0x5c: {  	[sflag:s0] =	ssyncadd.s32 $0xFFFFE000  }
0x5d: {  	[spmem:s2] =	stream.indirect.scatter.add.f32 [tilespmem:s9], [sflag:$0x7], $0x80, s3, s7, $0xb8;
	[tilespmem:$0x1C880] =	vst v63  }
0x5e: {  	_ =	swait.ge [sflag:s0], $0x2000  }
0x5f: {  	[sflag:s0] =	ssyncset.done $0x0  }
0x60: {  	[sflag:s0] =	ssyncadd.s32 $0xFFFFE000  }
0x61: {  	[bflag:$0x0] =	sbarrier.arrive $0xFFFF  }
0x62: {  	s28 =	rddreg [dreg:$0x4]  }
0x63: {  	s20 =	rddreg [dreg:$0x13]  }
0x64: {  	s19 =	rddreg [dreg:$0x11]  }
0x65: {  	s23 =	rddreg [dreg:$0x17];
	s10 =	sadd.s32 s28, s20  }
0x66: {  	[hbm:s10], [sflag:s19] =	dma.local [spmem:s23], $0x2700  }
0x67: {  	_ =	swait.ge [sflag:s0], $0x2700  }
0x68: {  	[sflag:s0] =	ssyncset.done $0x0  }
0x69: {  	s10 =	sadd.s32 @!p0 $0x27000, s20;
	s20 =	rddreg [dreg:$0x18];
	[sflag:s0] =	ssyncadd.s32 $0xFFFFD900  }
0x6a: {  	[hbm:s10], [sflag:s19] =	dma.local @!p0 [spmem:s20], $0x100  }
0x6b: {  	s10 =	simm.s32 @!p0 $0x7  }
0x6c: {  	_ =	swait.ge @!p0 [sflag:s10], $0x100  }
0x6d: {  	s29 =	rddreg [dreg:$0x16]  }
0x6e: {  	s31 =	rddreg [dreg:$0x14];
	s23 =	sadd.s32 $0x1, s29  }
0x6f: {  	p1 =	sne.s32 s23, s31  }
.Ltmp1:
0x70: {  	_ = 	snop;
	(pc) =	sbr.rel @!p1 .LBB2_11-.Ltmp1, $3  }
0x71: {  	_ =	sdelay $0x1  }
0x72: {  	[sflag:s10] =	ssyncset.done @!p0 $0x0  }
0x73: {  	[sflag:s10] =	ssyncadd.s32 @!p0 $0xFFFFFF00  }
.LBB2_1:
0x74: {  	[dreg:$0x16] =	wrdreg s23  }
0x75: {  	s10 =	rddreg [dreg:$0xa]  }
0x76: {  	s29 =	rddreg [dreg:$0x10];
	s20 =	sshrl.u32 s10, $0x3  }
0x77: {  	[dreg:$0x17] =	wrdreg s20  }
0x78: {  	[spmem:s20], [sflag:s19] =	dma.local [hbm:s29], $0x2700  }
0x79: {  	_ =	swait.ge [sflag:s0], $0x2700  }
0x7a: {  	s10 =	rddreg [dreg:$0x15]  }
0x7b: {  	[sflag:s0] =	ssyncset.done $0x0;
	s20 =	sshrl.u32 @!p0 s10, $0x3;
	s10 =	rddreg [dreg:$0x12]  }
0x7c: {  	[sflag:s0] =	ssyncadd.s32 $0xFFFFD900;
	[dreg:$0x18] =	wrdreg s20  }
0x7d: {  	[spmem:s20], [sflag:s19] =	dma.local @!p0 [hbm:s10], $0x100  }
0x7e: {  	s19 =	simm.s32 @!p0 $0x7  }
.Ltmp2:
0x7f: {  	_ =	swait.ge @!p0 [sflag:s19], $0x100;
	(pc) =	sbr.rel .LBB2_2-.Ltmp2, $4  }
0x80: {  	[sflag:s19] =	ssyncset.done @!p0 $0x0  }
0x81: {  	[sflag:s19] =	ssyncadd.s32 @!p0 $0xFFFFFF00  }
0x82: {  	[bflag:$0x0] =	sbarrier.arrive $0xFFFF  }
0x83: {  	s31 =	simm.s32 $0x0  }
.LBB2_9:
0x84: {  	s31 =	sadd.s32 $0x1, s31  }
0x85: {  	p1 =	sne.s32 s31, $0xA  }
.Ltmp3:
0x86: {  	_ = 	snop;
	(pc) =	sbr.rel @!p1 .LBB2_10-.Ltmp3, $4  }
0x87: {  	_ = 	snop  }
0x88: {  	_ =	swait.ge [sflag:s18], $0x2000  }
0x89: {  	[sflag:s18] =	ssyncset.done $0x0  }
0x8a: {  	[sflag:s18] =	ssyncadd.s32 $0xFFFFE000  }
.LBB2_2:
0x8b: {  	s19 =	sshll.u32 s31, $0xB  }
0x8c: {  	s19 =	sadd.s32 s21, s19  }
0x8d: {  	s19 =	sshrl.u32 s19, $0x3  }
0x8e: {  	s28 =	simm.s32 $0x0;
	s20 =	sadd.s32 s6, s19  }
0x8f: {  	[tilespmem:s28], [sflag:$0x7] =	stream.linear.gather [hbm4b:s20+s28], $0x800, $0x38;
	[tilespmem:$0x1C880] =	vst v63  }
0x90: {  	_ =	swait.ge [sflag:s0], $0x800  }
0x91: {  	[sflag:s0] =	ssyncset.done $0x0  }
0x92: {  	s19 =	sadd.s32 s22, s19;
	[sflag:s0] =	ssyncadd.s32 $0xFFFFF800  }
0x93: {  	[tilespmem:s4], [sflag:$0x7] =	stream.linear.gather [hbm4b:s19+s28], $0x800, $0x38;
	[tilespmem:$0x1C880] =	vst v63  }
0x94: {  	s23 =	sshll.u32 s31, $0x11;
	_ =	swait.ge [sflag:s0], $0x800  }
0x95: {  	s19 =	sadd.s32 s24, s23;
	[sflag:s0] =	ssyncset.done $0x0  }
0x96: {  	s19 =	sshrl.u32 s19, $0x3;
	[sflag:s0] =	ssyncadd.s32 $0xFFFFF800  }
0x97: {  	[tilespmem:s8], [sflag:$0x1] =	stream.indirect.gather [hbm4b:s1+s7], $0x80, s4, s7, $0xb8;
	[tilespmem:$0x1C880] =	vst v63  }
0x98: {  	s19 =	sadd.s32 s5, s19  }
0x99: {  	[tilespmem:s9], [sflag:$0x3] =	stream.linear.gather [hbm4b:s19+s28], $0x2000, $0x38;
	[tilespmem:$0x1C880] =	vst v63  }
0x9a: {  	s10 =	simm.s32 $0x880;
	s29 =	sshll.u32 s31, $0xE  }
0x9b: {  	[tilespmem:s11], [sflag:$0x2] =	stream.indirect.gather [hbm4b:s1+s7], $0x80, s10, s7, $0xb8;
	[tilespmem:$0x1C880] =	vst v63  }
0x9c: {  	s23 =	sshll.u32 s31, $0xA;
	s19 =	sadd.s32 s30, s29  }
0x9d: {  	[tilespmem:s12], [sflag:$0x4] =	stream.linear.gather [hbm4b:s19+s28], $0x2000, $0x38;
	[tilespmem:$0x1C880] =	vst v63  }
.LBB2_3:
0x9e: {  	_ =	swait.ge [sflag:s13], $0x2000  }
0x9f: {  	[sflag:s13] =	ssyncset.done $0x0  }
0xa0: {  	[sflag:s13] =	ssyncadd.s32 $0xFFFFE000  }
0xa1: {  	_ =	swait.ge [sflag:s14], $0x2000  }
0xa2: {  	[sflag:s14] =	ssyncset.done $0x0  }
0xa3: {  	s29 =	simm.s32 $0x0;
	[sflag:s14] =	ssyncadd.s32 $0xFFFFE000  }
0xa4: {  	v7 =	vld [tilespmem:s29+$0x5000]  }
0xa5: {  	v11 =	vld [tilespmem:s29+$0x5010]  }
0xa6: {  	v5 =	vld [tilespmem:s29+$0x5020]  }
0xa7: {  	v4 =	vld [tilespmem:s29+$0x5030]  }
0xa8: {  	v3 =	vld [tilespmem:s29+$0x5040]  }
0xa9: {  	v2 =	vld [tilespmem:s29+$0x5050]  }
0xaa: {  	v1 =	vld [tilespmem:s29+$0x5060]  }
0xab: {  	v0 =	vld [tilespmem:s29+$0x5070]  }
0xac: {  	v12 =	vld [tilespmem:s29+$0x1000]  }
0xad: {  	v13 =	vld [tilespmem:s29+$0x1010]  }
0xae: {  	v10 =	vld [tilespmem:s29+$0x1020]  }
0xaf: {  	v9 =	vld [tilespmem:s29+$0x1030]  }
0xb0: {  	v8 =	vld [tilespmem:s29+$0x1040]  }
0xb1: {  	v6 =	vld [tilespmem:s29+$0x1050];
	v12 =	vmul.f32 v7, v12  }
0xb2: {  	s20 =	simm.s32 $0x200;
	v11 =	vmul.f32 v11, v13;
	v7 =	vld [tilespmem:s29+$0x1060]  }
.LBB2_4:
0xb3: {  	s19 =	sshra.s32 s20, $0x2;
	p1 =	sne.s32 s20, $0x7E00;
	[tilespmem:s29+$0x1000] =	vst v12;
	v5 =	vmul.f32 v5, v10;
	v10 =	vld [tilespmem:s29+$0x1070]  }
0xb4: {  	v12 =	vld [tilespmem:s19+$0x5000];
	[tilespmem:s29+$0x1010] =	vst v11;
	v4 =	vmul.f32 v4, v9  }
0xb5: {  	v11 =	vld [tilespmem:s19+$0x5010];
	[tilespmem:s29+$0x1020] =	vst v5;
	v3 =	vmul.f32 v3, v8  }
0xb6: {  	v5 =	vld [tilespmem:s19+$0x5020];
	[tilespmem:s29+$0x1030] =	vst v4;
	v2 =	vmul.f32 v2, v6  }
0xb7: {  	v4 =	vld [tilespmem:s19+$0x5030];
	[tilespmem:s29+$0x1040] =	vst v3;
	v1 =	vmul.f32 v1, v7  }
0xb8: {  	v3 =	vld [tilespmem:s19+$0x5040];
	[tilespmem:s29+$0x1050] =	vst v2;
	v0 =	vmul.f32 v0, v10  }
0xb9: {  	v2 =	vld [tilespmem:s19+$0x5050];
	[tilespmem:s29+$0x1060] =	vst v1  }
0xba: {  	v1 =	vld [tilespmem:s19+$0x5060];
	[tilespmem:s29+$0x1070] =	vst v0;
	s29 =	smov.u32 s19  }
0xbb: {  	v0 =	vld [tilespmem:s29+$0x5070]  }
0xbc: {  	v6 =	vld [tilespmem:s29+$0x1000]  }
0xbd: {  	v7 =	vld [tilespmem:s29+$0x1010]  }
.Ltmp4:
0xbe: {  	v10 =	vld [tilespmem:s29+$0x1020];
	(pc) =	sbr.rel @p1 .LBB2_4-.Ltmp4, $4  }
0xbf: {  	v9 =	vld [tilespmem:s29+$0x1030]  }
0xc0: {  	v8 =	vld [tilespmem:s29+$0x1040]  }
0xc1: {  	v12 =	vmul.f32 v12, v6;
	v6 =	vld [tilespmem:s29+$0x1050]  }
0xc2: {  	s20 =	sadd.s32 $0x200, s20;
	v11 =	vmul.f32 v11, v7;
	v7 =	vld [tilespmem:s29+$0x1060]  }
0xc3: {  	[tilespmem:s29+$0x1000] =	vst v12;
	v5 =	vmul.f32 v5, v10;
	v10 =	vld [tilespmem:s29+$0x1070]  }
0xc4: {  	[tilespmem:s29+$0x1010] =	vst v11;
	v4 =	vmul.f32 v4, v9  }
0xc5: {  	[tilespmem:s29+$0x1020] =	vst v5;
	v3 =	vmul.f32 v3, v8  }
0xc6: {  	[tilespmem:s29+$0x1030] =	vst v4;
	v2 =	vmul.f32 v2, v6  }
0xc7: {  	[tilespmem:s29+$0x1040] =	vst v3;
	v1 =	vmul.f32 v1, v7  }
0xc8: {  	[tilespmem:s29+$0x1050] =	vst v2;
	v0 =	vmul.f32 v0, v10  }
0xc9: {  	s19 =	sshll.u32 s28, $0xA;
	[tilespmem:s29+$0x1060] =	vst v1  }
0xca: {  	[tilespmem:s29+$0x1070] =	vst v0;
	s29 =	sshrl.u32 s19, $0x2  }
0xcb: {  	[spmem:s2] =	stream.indirect.scatter.add.f32 [tilespmem:s9], [sflag:$0x5], $0x80, s29, s7, $0xb8;
	[tilespmem:$0x1C880] =	vst v63  }
0xcc: {  	_ =	swait.ge [sflag:s15], $0x2000  }
0xcd: {  	[sflag:s15] =	ssyncset.done $0x0  }
0xce: {  	[sflag:s15] =	ssyncadd.s32 $0xFFFFE000  }
0xcf: {  	_ =	swait.ge [sflag:s16], $0x2000  }
0xd0: {  	[sflag:s16] =	ssyncset.done $0x0  }
0xd1: {  	s20 =	simm.s32 $0x0;
	[sflag:s16] =	ssyncadd.s32 $0xFFFFE000  }
0xd2: {  	v7 =	vld [tilespmem:s20+$0x7000]  }
0xd3: {  	v11 =	vld [tilespmem:s20+$0x7010]  }
0xd4: {  	v5 =	vld [tilespmem:s20+$0x7020]  }
0xd5: {  	v4 =	vld [tilespmem:s20+$0x7030]  }
0xd6: {  	v3 =	vld [tilespmem:s20+$0x7040]  }
0xd7: {  	v2 =	vld [tilespmem:s20+$0x7050]  }
0xd8: {  	v1 =	vld [tilespmem:s20+$0x7060]  }
0xd9: {  	v0 =	vld [tilespmem:s20+$0x7070]  }
0xda: {  	v12 =	vld [tilespmem:s20+$0x3000]  }
0xdb: {  	v13 =	vld [tilespmem:s20+$0x3010]  }
0xdc: {  	v10 =	vld [tilespmem:s20+$0x3020]  }
0xdd: {  	v9 =	vld [tilespmem:s20+$0x3030]  }
0xde: {  	v8 =	vld [tilespmem:s20+$0x3040]  }
0xdf: {  	v6 =	vld [tilespmem:s20+$0x3050];
	v12 =	vmul.f32 v7, v12  }
0xe0: {  	s19 =	simm.s32 $0x200;
	v11 =	vmul.f32 v11, v13;
	v7 =	vld [tilespmem:s20+$0x3060]  }
.LBB2_6:
0xe1: {  	s10 =	sshra.s32 s19, $0x2;
	p1 =	sne.s32 s19, $0x7E00;
	[tilespmem:s20+$0x3000] =	vst v12;
	v5 =	vmul.f32 v5, v10;
	v10 =	vld [tilespmem:s20+$0x3070]  }
0xe2: {  	v12 =	vld [tilespmem:s10+$0x7000];
	[tilespmem:s20+$0x3010] =	vst v11;
	v4 =	vmul.f32 v4, v9  }
0xe3: {  	v11 =	vld [tilespmem:s10+$0x7010];
	[tilespmem:s20+$0x3020] =	vst v5;
	v3 =	vmul.f32 v3, v8  }
0xe4: {  	v5 =	vld [tilespmem:s10+$0x7020];
	[tilespmem:s20+$0x3030] =	vst v4;
	v2 =	vmul.f32 v2, v6  }
0xe5: {  	v4 =	vld [tilespmem:s10+$0x7030];
	[tilespmem:s20+$0x3040] =	vst v3;
	v1 =	vmul.f32 v1, v7  }
0xe6: {  	v3 =	vld [tilespmem:s10+$0x7040];
	[tilespmem:s20+$0x3050] =	vst v2;
	v0 =	vmul.f32 v0, v10  }
0xe7: {  	v2 =	vld [tilespmem:s10+$0x7050];
	[tilespmem:s20+$0x3060] =	vst v1  }
0xe8: {  	v1 =	vld [tilespmem:s10+$0x7060];
	[tilespmem:s20+$0x3070] =	vst v0;
	s20 =	smov.u32 s10  }
0xe9: {  	v0 =	vld [tilespmem:s20+$0x7070]  }
0xea: {  	v6 =	vld [tilespmem:s20+$0x3000]  }
0xeb: {  	v7 =	vld [tilespmem:s20+$0x3010]  }
.Ltmp5:
0xec: {  	v10 =	vld [tilespmem:s20+$0x3020];
	(pc) =	sbr.rel @p1 .LBB2_6-.Ltmp5, $4  }
0xed: {  	v9 =	vld [tilespmem:s20+$0x3030]  }
0xee: {  	v8 =	vld [tilespmem:s20+$0x3040]  }
0xef: {  	v12 =	vmul.f32 v12, v6;
	v6 =	vld [tilespmem:s20+$0x3050]  }
0xf0: {  	s19 =	sadd.s32 $0x200, s19;
	v11 =	vmul.f32 v11, v7;
	v7 =	vld [tilespmem:s20+$0x3060]  }
0xf1: {  	[tilespmem:s20+$0x3000] =	vst v12;
	v5 =	vmul.f32 v5, v10;
	v63 =	vld [tilespmem:s20+$0x3070]  }
0xf2: {  	[tilespmem:s20+$0x3010] =	vst v11;
	v4 =	vmul.f32 v4, v9  }
0xf3: {  	[tilespmem:s20+$0x3020] =	vst v5;
	v3 =	vmul.f32 v3, v8  }
0xf4: {  	[tilespmem:s20+$0x3030] =	vst v4;
	v2 =	vmul.f32 v2, v6  }
0xf5: {  	[tilespmem:s20+$0x3040] =	vst v3;
	v1 =	vmul.f32 v1, v7  }
0xf6: {  	[tilespmem:s20+$0x3050] =	vst v2;
	v0 =	vmul.f32 v0, v63  }
0xf7: {  	p1 =	seq.s32 s28, $0x7;
	[tilespmem:s20+$0x3060] =	vst v1  }
.Ltmp6:
0xf8: {  	s10 =	sadd.s32 $0x80, s29;
	[tilespmem:s20+$0x3070] =	vst v0;
	(pc) =	sbr.rel @p1 .LBB2_9-.Ltmp6, $4  }
0xf9: {  	[spmem:s2] =	stream.indirect.scatter.add.f32 [tilespmem:s12], [sflag:$0x6], $0x80, s10, s7, $0xb8;
	[tilespmem:$0x1C880] =	vst v63  }
0xfa: {  	_ =	swait.ge [sflag:s17], $0x2000  }
0xfb: {  	[sflag:s17] =	ssyncset.done $0x0  }
0xfc: {  	[sflag:s17] =	ssyncadd.s32 $0xFFFFE000  }
0xfd: {  	s10 =	sshll.u32 s28, $0x7  }
0xfe: {  	s19 =	sadd.s32 $0x900, s29;
	s10 =	sadd.s32 s23, s10  }
0xff: {  	[tilespmem:s8], [sflag:$0x1] =	stream.indirect.gather [hbm4b:s1+s7], $0x80, s19, s7, $0xb8;
	[tilespmem:$0x1C880] =	vst v63  }
0x100: {  	s20 =	sadd.s32 s10, s25  }
0x101: {  	s19 =	sshll.u32 s20, $0x4  }
0x102: {  	s19 =	sadd.s32 s5, s19  }
0x103: {  	[tilespmem:s9], [sflag:$0x3] =	stream.linear.gather [hbm4b:s19+s3], $0x2000, $0x38;
	[tilespmem:$0x1C880] =	vst v63  }
0x104: {  	_ =	swait.ge [sflag:s18], $0x2000  }
.Ltmp7:
0x105: {  	s10 =	sadd.s32 s10, s26;
	[sflag:s18] =	ssyncset.done $0x0;
	(pc) =	sbr.rel .LBB2_3-.Ltmp7, $4  }
0x106: {  	s29 =	sadd.s32 $0x980, s29;
	s10 =	sshll.u32 s10, $0x4;
	[sflag:s18] =	ssyncadd.s32 $0xFFFFE000  }
0x107: {  	[tilespmem:s11], [sflag:$0x2] =	stream.indirect.gather [hbm4b:s1+s7], $0x80, s29, s7, $0xb8;
	[tilespmem:$0x1C880] =	vst v63  }
0x108: {  	s28 =	sadd.s32 $0x1, s28;
	s10 =	sadd.s32 s5, s10  }
0x109: {  	[tilespmem:s12], [sflag:$0x4] =	stream.linear.gather [hbm4b:s10+s3], $0x2000, $0x38;
	[tilespmem:$0x1C880] =	vst v63  }
.LBB2_11:
0x10a: {  	_ =	sfence.sel $0x180000  }
0x10b: {  	[bflag:$0x0] =	sbarrier.arrive $0xFFFF  }
0x10c: {  	_ =	strace $0x9000004A  }
0x10d: {  	s0 =	stileid.u32;
	[bflag:$0x2] =	sbarrier.arrive $0xFFFF  }
0x10e: {  	p0 =	sne.s32 s0, $0x0;
	s0 =	rddreg [dreg:$0x3]  }
0x10f: {  	s0 =	sadd.s32 @!p0 $0x100000, s0  }
0x110: {  	[sflag:s0] =	ssyncadd.tile.s32 @!p0 $0x1;
	_ =	shalt  }
.Lfunc_end2:
_tile_overlayer_lowered:
.L_overlay_start_2:
0x111: {  	(tag) =	ssettag $0x2  }
0x112: {  	s0 =	rddreg [dreg:$0x0];
	s2 =	stileid.u32  }
0x113: {  	s1 =	rddreg [dreg:$0x1];
	p0 =	sne.s32 s2, $0x0  }
0x114: {  	s3 =	rddreg [dreg:$0x2];
	[bflag:$0x3] =	sbarrier.arrive $0xFFFF;
	s2 =	simm.s32 @!p0 $0x1C07  }
0x115: {  	[timem:s3], [sflag:s2] =	dma.local @!p0 [hbm:s0], s1  }
0x116: {  	s0 =	simm.s32 @!p0 $0x7  }
0x117: {  	_ =	swait.ge @!p0 [sflag:s0], s1  }
0x118: {  	s1 =	ssub.s32 @!p0 $0x0, s1;
	[sflag:s0] =	ssyncset.done @!p0 $0x0  }
0x119: {  	[sflag:s0] =	ssyncadd.s32 @!p0 s1  }
0x11a: {  	[bflag:$0x3] =	sbarrier.arrive $0xFFFF  }
0x11b: {  	_ =	shalt  }

// kernel: kernel.9.cloned.1.call-start
scs
__scs_entry_jumppad:
0x0: {  	(pc) =	sbr.rel $0x88, $3  }
0x1: {  	(tag) =	ssettag $0x0;
	lr =	simm.s32 $0x1  }
0x2: {  	[smem:$0x3F90] =	sst lr;
	_ =	strace $0xD0000000  }
0x3: {  	_ = 	snop  }
0x4: {  	_ = 	snop  }
0x5: {  	_ = 	snop  }
0x6: {  	_ = 	snop  }
0x7: {  	_ = 	snop  }
__scs_overlays_trampoline_lowered:
0x8: {  	[smem:$0x3F9F] =	sst s0  }
0x9: {  	[smem:$0x3FA0] =	sst s1  }
0xa: {  	[smem:$0x3FA1] =	sst s2  }
0xb: {  	[smem:$0x3FA2] =	sst s3  }
0xc: {  	[smem:$0x3FA3] =	sst s4  }
0xd: {  	[smem:$0x3FA4] =	sst s5  }
0xe: {  	[smem:$0x3FA5] =	sst s6  }
0xf: {  	[smem:$0x3FA6] =	sst s7  }
0x10: {  	[smem:$0x3FA7] =	sst s8  }
0x11: {  	[smem:$0x3FA8] =	sst s9;
	s0 =	simm.s32 @!p0 $0x0  }
0x12: {  	s1 =	sld [smem:$0x3F8E];
	s0 =	simm.s32 @p0 $0x1  }
0x13: {  	[smem:$0x3FA9] =	sst s0;
	s0 =	simm.s32 @!p1 $0x0  }
0x14: {  	s2 =	sld [smem:$0x3F8D];
	s0 =	simm.s32 @p1 $0x1  }
0x15: {  	[smem:$0x3FAA] =	sst s0;
	s0 =	simm.s32 @!p2 $0x0  }
0x16: {  	s3 =	sld [smem:$0x3FDB];
	s0 =	simm.s32 @p2 $0x1  }
0x17: {  	s4 =	simm.s32 $0x1BF5;
	[smem:$0x3FAC] =	sst s0  }
0x18: {  	s0 =	sld [smem:$0x3F8F];
	_ =	swait.ge [sflag:s4], $0x0  }
0x19: {  	s7 =	sld [smem:$0x3F90]  }
0x1a: {  	s8 =	sadd.s32 $0xFFFFE003, lr  }
0x1b: {  	s9 =	sadd.s32 $0xFFFFFEF7, lr;
	s5 =	simm.s32 $0xFFFFFFFF;
	p2 =	slt.u32 s8, $0xFFFFF086  }
0x1c: {  	p1 =	slt.u32 s9, $0xF7A;
	s5 =	simm.s32 @!p2 $0x0  }
0x1d: {  	s5 =	simm.s32 @p1 $0x1;
	p0 =	seq.s32 s7, s2  }
0x1e: {  	s7 =	smul.u32 @!p0 $0xF7A, s2;
	p2 =	seq.s32 @!p0 s5, $0x0  }
0x1f: {  	s9 =	smul.u32 $0xF7A, s1;
	s8 =	simm.s32 @!p0 $0x1BF5;
	p2 =	por !p2, p0  }
0x20: {  	[sflag:s8] =	ssyncset.s32 @!p0 $0xFFFFF086;
	s6 =	sadd.s32 @!p0 s3, s7;
	s7 =	simm.s32 @!p0 $0x108  }
0x21: {  	s3 =	sadd.s32 s3, s9;
	s6 =	sadd.s32 @!p0 $0x88, s6;
	s7 =	simm.s32 @p2 $0x1082  }
0x22: {  	[simem:s7], [sflag:s8] =	dma.local @!p0 [hbm:s6], $0xF7A  }
0x23: {  	s9 =	sor.u32 $0xD0000000, s2;
	s6 =	simm.s32 $0x108;
	_ =	swait.ge @!p0 [sflag:s8], $0x0  }
0x24: {  	s3 =	sadd.s32 $0x88, s3;
	s6 =	simm.s32 @!p1 $0x1082;
	[sflag:s4] =	ssyncset.s32 $0xFFFFF086  }
0x25: {  	[simem:s6], [sflag:s4] =	dma.local [hbm:s3], $0xF7A  }
0x26: {  	[smem:$0x3F90] =	sst s1;
	(tag) =	ssettag s2;
	_ =	strace s9  }
0x27: {  	s1 =	sld [smem:$0x3FA0]  }
0x28: {  	s2 =	sld [smem:$0x3FA1]  }
0x29: {  	s4 =	sld [smem:$0x3FA3]  }
0x2a: {  	p0 =	seq.s32 s5, $0x0;
	s5 =	sld [smem:$0x3FA4]  }
0x2b: {  	s6 =	sld [smem:$0x3FA5]  }
0x2c: {  	s7 =	sld [smem:$0x3FA6]  }
0x2d: {  	s3 =	simm.s32 $0x108;
	s8 =	sld [smem:$0x3FA7]  }
0x2e: {  	s3 =	simm.s32 @!p0 $0x1082;
	s9 =	sld [smem:$0x3FA8]  }
0x2f: {  	lr =	sadd.s32 s0, s3;
	s0 =	sld [smem:$0x3F9F]  }
0x30: {  	s3 =	sld [smem:$0x3FA2]  }
0x31: {  	[smem:$0x3FAB] =	sst s10  }
0x32: {  	s10 =	sld [smem:$0x3FA9];
	_ =	sdelay $0x3  }
0x33: {  	p0 =	seq.s32 s10, $0x1;
	s10 =	sld [smem:$0x3FAB];
	_ =	sdelay $0x3  }
0x34: {  	[smem:$0x3FAB] =	sst s10  }
0x35: {  	s10 =	sld [smem:$0x3FAA];
	_ =	sdelay $0x3  }
0x36: {  	p1 =	seq.s32 s10, $0x1;
	s10 =	sld [smem:$0x3FAB];
	_ =	sdelay $0x3  }
0x37: {  	[smem:$0x3FAB] =	sst s10  }
0x38: {  	s10 =	sld [smem:$0x3FAC]  }
0x39: {  	_ = 	snop;
	(pc) =	sbr.ind lr, $3  }
0x3a: {  	_ = 	snop  }
0x3b: {  	_ = 	snop  }
0x3c: {  	p2 =	seq.s32 s10, $0x1;
	s10 =	sld [smem:$0x3FAB]  }
0x3d: {  	_ =	shalt  }
0x3e: {  	_ =	shalt  }
0x3f: {  	_ =	shalt  }
0x40: {  	_ =	shalt  }
0x41: {  	_ =	shalt  }
0x42: {  	_ =	shalt  }
0x43: {  	_ =	shalt  }
0x44: {  	_ =	shalt  }
0x45: {  	_ =	shalt  }
0x46: {  	_ =	shalt  }
0x47: {  	_ =	shalt  }
0x48: {  	_ =	shalt  }
0x49: {  	_ =	shalt  }
0x4a: {  	_ =	shalt  }
0x4b: {  	_ =	shalt  }
0x4c: {  	_ =	shalt  }
0x4d: {  	_ =	shalt  }
0x4e: {  	_ =	shalt  }
0x4f: {  	_ =	shalt  }
0x50: {  	_ =	shalt  }
0x51: {  	_ =	shalt  }
0x52: {  	_ =	shalt  }
0x53: {  	_ =	shalt  }
0x54: {  	_ =	shalt  }
0x55: {  	_ =	shalt  }
0x56: {  	_ =	shalt  }
0x57: {  	_ =	shalt  }
0x58: {  	_ =	shalt  }
0x59: {  	_ =	shalt  }
0x5a: {  	_ =	shalt  }
0x5b: {  	_ =	shalt  }
0x5c: {  	_ =	shalt  }
0x5d: {  	_ =	shalt  }
0x5e: {  	_ =	shalt  }
0x5f: {  	_ =	shalt  }
0x60: {  	_ =	shalt  }
0x61: {  	_ =	shalt  }
0x62: {  	_ =	shalt  }
0x63: {  	_ =	shalt  }
0x64: {  	_ =	shalt  }
0x65: {  	_ =	shalt  }
0x66: {  	_ =	shalt  }
0x67: {  	_ =	shalt  }
0x68: {  	_ =	shalt  }
0x69: {  	_ =	shalt  }
0x6a: {  	_ =	shalt  }
0x6b: {  	_ =	shalt  }
0x6c: {  	_ =	shalt  }
0x6d: {  	_ =	shalt  }
0x6e: {  	_ =	shalt  }
0x6f: {  	_ =	shalt  }
0x70: {  	_ =	shalt  }
0x71: {  	_ =	shalt  }
0x72: {  	_ =	shalt  }
0x73: {  	_ =	shalt  }
0x74: {  	_ =	shalt  }
0x75: {  	_ =	shalt  }
0x76: {  	_ =	shalt  }
0x77: {  	_ =	shalt  }
0x78: {  	_ =	shalt  }
0x79: {  	_ =	shalt  }
0x7a: {  	_ =	shalt  }
0x7b: {  	_ =	shalt  }
0x7c: {  	_ =	shalt  }
0x7d: {  	_ =	shalt  }
0x7e: {  	_ =	shalt  }
0x7f: {  	_ =	shalt  }
0x80: {  	_ =	shalt  }
0x81: {  	_ =	shalt  }
0x82: {  	_ =	shalt  }
0x83: {  	_ =	shalt  }
0x84: {  	_ =	shalt  }
0x85: {  	_ =	shalt  }
0x86: {  	_ =	shalt  }
0x87: {  	_ =	shalt  }
.Lfunc_end0:
.L_simem_size_0:
called_computation_lowered:
.L_overlay_start_0:
0x88: {  	s2 =	sld [smem:$0x3FD9]  }
0x89: {  	s3 =	sld [smem:$0x3FFE];
	_ =	sdelay $0x1  }
0x8a: {  	s1 =	srdreg.scid  }
0x8b: {  	s0 =	sand.u32 $0x1, s1  }
0x8c: {  	s16 =	sshll.u32 s0, $0xA;
	s2 =	sadd.s32 s3, s2  }
0x8d: {  	s2 =	sadd.s32 s2, s16  }
0x8e: {  	[smem:$0x3FB7] =	sst s2  }
0x8f: {  	_ = 	snop  }
0x90: {  	(tm) =	ssettm $0x1  }
0x91: {  	s17 =	sld [smem:$0x3FFB];
	_ =	sdelay $0x3  }
0x92: {  	_ =	strace s17  }
0x93: {  	s2 =	sld [smem:$0x3FFC];
	_ =	sdelay $0x3  }
0x94: {  	_ =	strace s2  }
0x95: {  	s2 =	sld [smem:$0x3FFD];
	_ =	sdelay $0x3  }
0x96: {  	_ =	strace s2  }
0x97: {  	_ =	strace $0x8FFFFFFF  }
0x98: {  	s18 =	sld [smem:$0x3FDB];
	_ =	sdelay $0x1  }
0x99: {  	s19 =	simm.s32 $_scs_section_size  }
0x9a: {  	s4 =	simm.s32 $_size__tile_overlayer_lowered;
	s5 =	simm.s32 $_tile_overlayer_lowered  }
0x9b: {  	s22 =	simm.s32 $0x1BFF;
	s21 =	sshll.u32 s5, $0x1;
	s2 =	sadd.s32 s19, s18  }
0x9c: {  	s6 =	simm.s32 $0x0;
	s20 =	sshll.u32 s4, $0x1;
	s4 =	sadd.s32 s21, s2  }
0x9d: {  	[timem:s6], [sflag:s22] =	dma.local [hbm:s4], s20  }
0x9e: {  	_ =	swait.ge [sflag:s22], s20  }
0x9f: {  	s3 =	ssub.s32 $0x0, s20;
	[sflag:s22] =	ssyncset.done $0x0  }
0xa0: {  	[sflag:s22] =	ssyncadd.s32 s3;
	_ =	sdelay $0x1  }
0xa1: {  	s23 =	simm.s32 $0x1B8B  }
0xa2: {  	_ =	swait.ge [sflag:s23], $0x1  }
0xa3: {  	[sflag:s23] =	ssyncset.done $0x0  }
0xa4: {  	s25 =	simm.s32 $0x1B8E;
	s24 =	sld [smem:$0x3FFE];
	[sflag:s23] =	ssyncadd.s32 $0xFFFFFFFF  }
0xa5: {  	s26 =	simm.s32 $execute0_lowered;
	[smem:$0x3FD2] =	sst s25  }
0xa6: {  	s4 =	sshll.u32 s26, $0x1;
	_ =	strace $0x80000046;
	[dreg:$0x1] =	wrdreg $0xFFFFFFFF  }
0xa7: {  	s28 =	simm.s32 $_size_execute0_lowered;
	s2 =	sadd.s32 s2, s4;
	[dreg:$0x0] =	wrdreg $0x0  }
0xa8: {  	s4 =	sshll.u32 s28, $0x1;
	[dreg:$0x2] =	wrdreg s2  }
0xa9: {  	[dreg:$0x3] =	wrdreg s4  }
0xaa: {  	[dreg:$0x4] =	wrdreg $0xC0  }
0xab: {  	_ =	task [dreg:s6], $0x5FFFF  }
0xac: {  	[dreg:$0x1] =	wrdreg $0xFFFFFFFF  }
0xad: {  	[dreg:$0x0] =	wrdreg $0x60  }
0xae: {  	[dreg:$0x2] =	wrdreg s24  }
0xaf: {  	[dreg:$0x3] =	wrdreg $0x88000  }
0xb0: {  	[dreg:$0x4] =	wrdreg $0x9  }
0xb1: {  	_ =	task.clear_ibuf [dreg:s6], $0x5FFFF;
	_ =	strace $0x90000046  }
0xb2: {  	s29 =	simm.s32 $0x9;
	_ =	strace $0x80000048  }
0xb3: {  	_ =	swait.ge [sflag:s29], $0x1  }
0xb4: {  	[sflag:s29] =	ssyncadd.s32 $0xFFFFFFFF  }
0xb5: {  	_ =	strace $0x90000048  }
0xb6: {  	_ =	sfence  }
0xb7: {  	s30 =	sld [smem:$0x0];
	_ =	sdelay $0x2  }
0xb8: {  	s31 =	sshll.u32 s1, $0xD;
	s1 =	sshrl.u32 s1, $0x2  }
0xb9: {  	s3 =	sand.u32 $0x4000, s31;
	s1 =	sadd.s32 s1, s30  }
0xba: {  	s0 =	sor.u32 s3, s0;
	s1 =	sshll.u32 s1, $0x11  }
0xbb: {  	s0 =	sor.u32 s1, s0  }
0xbc: {  	s0 =	sadd.s32 $0x8F2B, s0  }
0xbd: {  	[sflag:s0] =	ssyncadd.remote.s32 $0x1  }
0xbe: {  	_ =	sfence.sel $0xFFFF  }
0xbf: {  	[dreg:$0x0] =	wrdreg $0xFFFFFFFF;
	(pc) =	sbr.abs _section_cstart, $3  }
0xc0: {  	[dreg:$0x1] =	wrdreg $0xFFFFFFFF  }
0xc1: {  	_ =	task.clear_ibuf [dreg:s6], $0x2FFFF;
	_ =	strace $0x9FFFFFFF  }
0xc2: {  	(tm) =	ssettm $0x7FFFFFFF  }
0xc3: {  	_ =	shalt  }
tec
execute0_lowered:
.L_overlay_start_1:
0x0: {  	(tag) =	ssettag $0x1  }
0x1: {  	s0 =	rddreg [dreg:$0x0]  }
0x2: {  	s2 =	rddreg [dreg:$0x1];
	s3 =	simm.s32 $0x0;
	s15 =	stileid.u32  }
0x3: {  	s1 =	srdreg.scid;
	s16 =	simm.s32 $0x5;
	s18 =	simm.s32 $0x800  }
0x4: {  	s19 =	simm.s32 $0x4800;
	s20 =	simm.s32 $0x1;
	s21 =	simm.s32 $0x80  }
0x5: {  	s22 =	simm.s32 $0x2;
	[smem:$0x7FF] =	sst s3;
	s6 =	smul.u32 $0x2700, s15  }
0x6: {  	s1 =	sand.u32 $0x1, s1;
	s23 =	sadd.s32 $0x12000, s0;
	s5 =	sadd.s32 $0x2000, s0  }
0x7: {  	s9 =	smul.u32 $0x4E000, s15;
	s25 =	sshll.u32 s15, $0xF;
	s29 =	sshll.u32 s15, $0x6  }
0x8: {  	s17 =	sadd.s32 $0x138000, s2;
	s10 =	sshll.u32 s15, $0x13;
	p0 =	sne.s32 s15, $0xF  }
0x9: {  	_ =	strace $0x80000047;
	s4 =	smul.u32 $0x27100, s1;
	s24 =	ssub.s32 $0x2, s1  }
0xa: {  	s26 =	sshll.u32 s1, $0xE;
	s3 =	sadd.s32 s10, s23;
	s1 =	sshll.u32 s1, $0x12  }
0xb: {  	s10 =	sadd.s32 $0x839000, s0;
	s17 =	sshrl.u32 @!p0 s17, $0x3;
	[dreg:$0x3] =	wrdreg s6  }
0xc: {  	s7 =	sadd.s32 s6, s0;
	s8 =	sshrl.u32 s24, $0x1;
	s6 =	sor.u32 s26, s25  }
0xd: {  	s28 =	sshrl.u32 s9, $0x2;
	s31 =	sadd.s32 s1, s3;
	s25 =	simm.s32 $0x0  }
0xe: {  	s4 =	sadd.s32 s4, s0;
	s13 =	ssub.s32 s24, s8;
	s14 =	sadd.s32 s28, s2  }
0xf: {  	s7 =	sadd.s32 $0x812000, s7;
	s8 =	sor.u32 $0x1C05, s29;
	s30 =	sshll.u32 s6, $0x4  }
0x10: {  	s1 =	sadd.s32 $0x1800, s31;
	s24 =	simm.s32 $0x4;
	[dreg:$0x4] =	wrdreg s7  }
0x11: {  	s9 =	sadd.s32 s23, s30;
	s12 =	sadd.s32 $0x839200, s4;
	s13 =	smax.u32 s13, $0x1  }
0x12: {  	s15 =	sshrl.u32 s14, $0x3;
	s23 =	simm.s32 $0x3;
	s11 =	sadd.s32 $0x800, s9  }
.LBB2_1:
0x13: {  	s0 =	rddreg [dreg:$0x4]  }
0x14: {  	[spmem:s15], [sflag:s8] =	dma.local [hbm:s0], $0x2700  }
0x15: {  	_ =	swait.ge [sflag:s16], $0x2700  }
0x16: {  	[sflag:s16] =	ssyncset.done $0x0  }
0x17: {  	s0 =	simm.s32 @!p0 $0x5;
	[sflag:s16] =	ssyncadd.s32 $0xFFFFD900  }
0x18: {  	[spmem:s17], [sflag:s8] =	dma.local @!p0 [hbm:s10], $0x100  }
0x19: {  	_ =	swait.ge @!p0 [sflag:s0], $0x100  }
0x1a: {  	[sflag:s0] =	ssyncset.done @!p0 $0x0  }
0x1b: {  	[sflag:s0] =	ssyncadd.s32 @!p0 $0xFFFFFF00  }
0x1c: {  	s31 =	simm.s32 $0x0;
	[bflag:$0x0] =	sbarrier.arrive $0xFFFF  }
0x1d: {  	[tilespmem:s18], [sflag:$0x1] =	stream.linear.gather [hbm4b:s9+s31], $0x4000, $0x38;
	[tilespmem:$0x1C080] =	vst v63  }
0x1e: {  	s26 =	simm.s32 $0x0;
	s29 =	simm.s32 $0x0;
	s0 =	smov.u32 s1  }
0x1f: {  	[tilespmem:s19], [sflag:$0x2] =	stream.linear.gather [hbm4b:s11+s31], $0x4000, $0x38;
	[tilespmem:$0x1C080] =	vst v63  }
.LBB2_2:
0x20: {  	s3 =	sshll.u32 s29, $0xB  }
0x21: {  	s3 =	sadd.s32 s6, s3  }
0x22: {  	s3 =	sshrl.u32 s3, $0x3  }
0x23: {  	s4 =	simm.s32 $0x0;
	s3 =	sadd.s32 s5, s3  }
0x24: {  	[tilespmem:s4], [sflag:$0x5] =	stream.linear.gather [hbm4b:s3+s4], $0x800, $0x38;
	[tilespmem:$0x1C080] =	vst v63  }
0x25: {  	_ =	swait.ge [sflag:s16], $0x800  }
0x26: {  	[sflag:s16] =	ssyncset.done $0x0  }
0x27: {  	[sflag:s16] =	ssyncadd.s32 $0xFFFFF800  }
0x28: {  	_ =	swait.ge [sflag:s20], $0x4000  }
0x29: {  	[sflag:s20] =	ssyncset.done $0x0  }
0x2a: {  	s7 =	simm.s32 $0x0;
	[sflag:s20] =	ssyncadd.s32 $0xFFFFC000  }
0x2b: {  	[spmem:s2] =	stream.indirect.scatter.add.f32 [tilespmem:s18], [sflag:$0x3], $0x80, s7, s21, $0xb8;
	[tilespmem:$0x1C080] =	vst v63  }
0x2c: {  	_ =	swait.ge [sflag:s22], $0x4000  }
0x2d: {  	[sflag:s22] =	ssyncset.done $0x0  }
0x2e: {  	s14 =	simm.s32 $0x80;
	s30 =	simm.s32 $0x400;
	[sflag:s22] =	ssyncadd.s32 $0xFFFFC000  }
0x2f: {  	[spmem:s2] =	stream.indirect.scatter.add.f32 [tilespmem:s19], [sflag:$0x4], $0x80, s14, s21, $0xb8;
	[tilespmem:$0x1C080] =	vst v63  }
0x30: {  	p1 =	sgt.u32 s26, $0x7D;
	p2 =	sgt.u32 s26, $0x7C;
	_ =	swait.ge [sflag:s23], $0x4000  }
0x31: {  	s31 =	sadd.s32 $0x2, s26;
	s3 =	sadd.s32 @!p1 $0xFFFFF800, s0;
	[sflag:s23] =	ssyncset.done $0x0  }
0x32: {  	s4 =	simm.s32 @!p1 $0x0;
	s14 =	simm.s32 @!p1 $0x800;
	[sflag:s23] =	ssyncadd.s32 $0xFFFFC000  }
0x33: {  	[tilespmem:s14], [sflag:$0x1] =	stream.linear.gather @!p1 [hbm4b:s3+s4], $0x4000, $0x38;
	[tilespmem:$0x1C080] =	vst v63  }
0x34: {  	s28 =	smov.u32 s0;
	s3 =	simm.s32 @!p2 $0x0;
	_ =	swait.ge [sflag:s24], $0x4000  }
0x35: {  	s4 =	simm.s32 @!p2 $0x4800;
	s14 =	smov.u32 s0;
	[sflag:s24] =	ssyncset.done $0x0  }
.LBB2_3:
0x36: {  	[sflag:s24] =	ssyncadd.s32 $0xFFFFC000  }
0x37: {  	s28 =	sadd.s32 $0x1000, s28;
	s7 =	smov.u32 s30;
	s30 =	sadd.s32 $0x400, s30  }
0x38: {  	[tilespmem:s4], [sflag:$0x2] =	stream.linear.gather @!p2 [hbm4b:s14+s3], $0x4000, $0x38;
	[tilespmem:$0x1C080] =	vst v63  }
0x39: {  	p1 =	sne.s32 s30, $0x2000;
	s14 =	smov.u32 s28;
	_ =	swait.ge [sflag:s20], $0x4000  }
0x3a: {  	[sflag:s20] =	ssyncset.done $0x0  }
0x3b: {  	s3 =	sshra.s32 s7, $0x2;
	[sflag:s20] =	ssyncadd.s32 $0xFFFFC000  }
0x3c: {  	[spmem:s2] =	stream.indirect.scatter.add.f32 [tilespmem:s18], [sflag:$0x3], $0x80, s3, s21, $0xb8;
	[tilespmem:$0x1C080] =	vst v63  }
0x3d: {  	_ =	swait.ge [sflag:s22], $0x4000  }
0x3e: {  	[sflag:s22] =	ssyncset.done $0x0  }
0x3f: {  	s3 =	sadd.s32 $0x80, s3;
	[sflag:s22] =	ssyncadd.s32 $0xFFFFC000  }
0x40: {  	[spmem:s2] =	stream.indirect.scatter.add.f32 [tilespmem:s19], [sflag:$0x4], $0x80, s3, s21, $0xb8;
	[tilespmem:$0x1C080] =	vst v63  }
0x41: {  	p2 =	sgt.u32 s31, $0x7D;
	_ =	swait.ge [sflag:s23], $0x4000  }
0x42: {  	s4 =	simm.s32 @!p2 $0x0;
	[sflag:s23] =	ssyncset.done $0x0  }
.Ltmp0:
0x43: {  	s3 =	sadd.s32 @!p2 $0xFFFFF800, s28;
	[sflag:s23] =	ssyncadd.s32 $0xFFFFC000;
	(pc) =	sbr.rel @p1 .LBB2_3-.Ltmp0, $4  }
0x44: {  	s7 =	simm.s32 @!p2 $0x800  }
0x45: {  	[tilespmem:s7], [sflag:$0x1] =	stream.linear.gather @!p2 [hbm4b:s3+s4], $0x4000, $0x38;
	[tilespmem:$0x1C080] =	vst v63  }
0x46: {  	p2 =	sgt.u32 s31, $0x7C;
	s31 =	sadd.s32 $0x2, s31;
	_ =	swait.ge [sflag:s24], $0x4000  }
0x47: {  	s3 =	simm.s32 @!p2 $0x0;
	s4 =	simm.s32 @!p2 $0x4800;
	[sflag:s24] =	ssyncset.done $0x0  }
0x48: {  	s29 =	sadd.s32 $0x1, s29  }
0x49: {  	p1 =	sne.s32 s29, $0x8  }
.Ltmp1:
0x4a: {  	_ = 	snop;
	(pc) =	sbr.rel @p1 .LBB2_2-.Ltmp1, $3  }
0x4b: {  	_ =	sdelay $0x1  }
0x4c: {  	[sflag:s24] =	ssyncadd.s32 $0xFFFFC000;
	s0 =	sadd.s32 $0x8000, s0;
	s26 =	sadd.s32 $0x10, s26  }
0x4d: {  	[tilespmem:s4], [sflag:$0x2] =	stream.linear.gather @!p2 [hbm4b:s14+s3], $0x4000, $0x38;
	[tilespmem:$0x1C080] =	vst v63  }
0x4e: {  	[bflag:$0x0] =	sbarrier.arrive $0xFFFF  }
0x4f: {  	s0 =	rddreg [dreg:$0x3]  }
0x50: {  	s0 =	sadd.s32 s0, s12  }
0x51: {  	[hbm:s0], [sflag:s8] =	dma.local [spmem:s15], $0x2700  }
0x52: {  	_ =	swait.ge [sflag:s16], $0x2700  }
0x53: {  	s25 =	sadd.s32 $0x1, s25;
	[sflag:s16] =	ssyncset.done $0x0  }
0x54: {  	p1 =	sne.s32 s25, s13;
	s0 =	sadd.s32 @!p0 $0x27000, s12;
	[sflag:s16] =	ssyncadd.s32 $0xFFFFD900  }
0x55: {  	[hbm:s0], [sflag:s8] =	dma.local @!p0 [spmem:s17], $0x100  }
.Ltmp2:
0x56: {  	_ = 	snop;
	(pc) =	sbr.rel @p1 .LBB2_1-.Ltmp2, $4  }
0x57: {  	s0 =	simm.s32 @!p0 $0x5  }
0x58: {  	_ =	swait.ge @!p0 [sflag:s0], $0x100  }
0x59: {  	[sflag:s0] =	ssyncset.done @!p0 $0x0  }
0x5a: {  	[sflag:s0] =	ssyncadd.s32 @!p0 $0xFFFFFF00  }
0x5b: {  	_ =	sfence.sel $0x180000  }
0x5c: {  	[bflag:$0x0] =	sbarrier.arrive $0xFFFF  }
0x5d: {  	_ =	strace $0x90000047  }
0x5e: {  	s0 =	stileid.u32;
	[bflag:$0x2] =	sbarrier.arrive $0xFFFF  }
0x5f: {  	p0 =	sne.s32 s0, $0x0;
	s0 =	rddreg [dreg:$0x2]  }
0x60: {  	s0 =	sadd.s32 @!p0 $0x100000, s0  }
0x61: {  	[sflag:s0] =	ssyncadd.tile.s32 @!p0 $0x1;
	_ =	shalt  }
.Lfunc_end2:
_tile_overlayer_lowered:
.L_overlay_start_2:
0x62: {  	(tag) =	ssettag $0x2  }
0x63: {  	s0 =	rddreg [dreg:$0x0];
	s2 =	stileid.u32  }
0x64: {  	s1 =	rddreg [dreg:$0x1];
	p0 =	sne.s32 s2, $0x0  }
0x65: {  	s3 =	rddreg [dreg:$0x2];
	[bflag:$0x3] =	sbarrier.arrive $0xFFFF;
	s2 =	simm.s32 @!p0 $0x1C05  }
0x66: {  	[timem:s3], [sflag:s2] =	dma.local @!p0 [hbm:s0], s1  }
0x67: {  	s0 =	simm.s32 @!p0 $0x5  }
0x68: {  	_ =	swait.ge @!p0 [sflag:s0], s1  }
0x69: {  	s1 =	ssub.s32 @!p0 $0x0, s1;
	[sflag:s0] =	ssyncset.done @!p0 $0x0  }
0x6a: {  	[sflag:s0] =	ssyncadd.s32 @!p0 s1  }
0x6b: {  	[bflag:$0x3] =	sbarrier.arrive $0xFFFF  }
0x6c: {  	_ =	shalt  }

</sc_bundles>
